<compile_context>
chip_gen: v7x
topology: tpu7x:2x2x1
jax: 0.10.2.dev20260603
libtpu: 0.0.44.dev20260713+nightly
codegen_flags: <defaults>
</compile_context>

<pallas_src>
import functools

import jax
import jax.numpy as jnp
from jax import lax
from jax.experimental import pallas as pl
from jax.experimental.pallas import tpu as pltpu
from jax.experimental.pallas import tpu_sc as plsc

NUM_EXPERTS = 8
TOP_K = 2
D_MODEL = 1024
D_FF = 2816
T = 2048
BT = 256
NBMAX = 24
P = NBMAX * BT
FT = 1408
NJ = D_FF // FT
NPAIR = T * TOP_K



def _router_kernel(hs_ref, wg_ref, pos0_ref, pos1_ref, cw0_ref, cw1_ref,
                   be_ref, nreal_ref):
    x = hs_ref[...]
    logits = lax.dot_general(x, wg_ref[...], (((1,), (0,)), ((), ())),
                             preferred_element_type=jnp.float32)
    m = jnp.max(logits, axis=1, keepdims=True)
    p = jnp.exp(logits - m)
    rw = p / jnp.sum(p, axis=1, keepdims=True)
    ids = lax.broadcasted_iota(jnp.int32, rw.shape, 1)
    m0 = jnp.max(rw, axis=1, keepdims=True)
    e0 = jnp.min(jnp.where(rw == m0, ids, NUM_EXPERTS), axis=1, keepdims=True)
    rw2 = jnp.where(ids == e0, -jnp.inf, rw)
    m1 = jnp.max(rw2, axis=1, keepdims=True)
    e1 = jnp.min(jnp.where(rw2 == m1, ids, NUM_EXPERTS), axis=1, keepdims=True)
    s = m0 + m1
    cw0_ref[...] = m0 / s
    cw1_ref[...] = m1 / s

    onehot0 = (ids == e0)
    onehot1 = (ids == e1)
    m0f = onehot0.astype(jnp.float32)
    m1f = onehot1.astype(jnp.float32)

    r_i = lax.broadcasted_iota(jnp.int32, (T, T), 0)
    c_i = lax.broadcasted_iota(jnp.int32, (T, T), 1)
    ltri = (c_i < r_i).astype(jnp.bfloat16)
    cums0 = lax.dot_general(ltri, m0f.astype(jnp.bfloat16),
                            (((1,), (0,)), ((), ())),
                            preferred_element_type=jnp.float32)
    cums1 = lax.dot_general(ltri, m1f.astype(jnp.bfloat16),
                            (((1,), (0,)), ((), ())),
                            preferred_element_type=jnp.float32)

    tot0_row = jnp.sum(m0f, axis=0, keepdims=True)
    tot1_row = jnp.sum(m1f, axis=0, keepdims=True)
    cnt_row = tot0_row + tot1_row

    nb_row = jnp.floor((cnt_row + (BT - 1)) * (1.0 / BT))
    nbr_row = nb_row * BT
    e_r = lax.broadcasted_iota(jnp.int32, (NUM_EXPERTS, NUM_EXPERTS), 0)
    e_c = lax.broadcasted_iota(jnp.int32, (NUM_EXPERTS, NUM_EXPERTS), 1)
    u_strict = (e_r < e_c).astype(jnp.bfloat16)
    u_le = (e_r <= e_c).astype(jnp.bfloat16)
    offs_row = lax.dot_general(nbr_row.astype(jnp.bfloat16), u_strict,
                               (((1,), (0,)), ((), ())),
                               preferred_element_type=jnp.float32)
    cumnb_row = lax.dot_general(nb_row.astype(jnp.bfloat16), u_le,
                                (((1,), (0,)), ((), ())),
                                preferred_element_type=jnp.float32)

    offs_sel0 = jnp.sum(jnp.where(onehot0, offs_row, 0.0), axis=1,
                        keepdims=True)
    offs_sel1 = jnp.sum(jnp.where(onehot1, offs_row, 0.0), axis=1,
                        keepdims=True)
    tot0_sel1 = jnp.sum(jnp.where(onehot1, tot0_row, 0.0), axis=1,
                        keepdims=True)
    rank0 = jnp.sum(jnp.where(onehot0, cums0, 0.0), axis=1, keepdims=True)
    rank1 = jnp.sum(jnp.where(onehot1, cums1, 0.0), axis=1, keepdims=True)
    pos0_ref[...] = (offs_sel0 + rank0).astype(jnp.int32)
    pos1_ref[...] = (offs_sel1 + tot0_sel1 + rank1).astype(jnp.int32)

    b_col = lax.broadcasted_iota(jnp.int32, (NBMAX, 1), 0).astype(jnp.float32)
    cumnb_b = jnp.broadcast_to(cumnb_row, (NBMAX, NUM_EXPERTS))
    bi_b = lax.broadcasted_iota(jnp.int32, (NBMAX, NUM_EXPERTS),
                                0).astype(jnp.float32)
    be = jnp.sum((bi_b >= cumnb_b).astype(jnp.float32), axis=1,
                 keepdims=True)
    nreal = jnp.sum(nb_row, axis=1, keepdims=True)
    nreal_b = jnp.broadcast_to(nreal, (NBMAX, 1))
    be_last = jnp.sum(jnp.where(b_col == nreal_b - 1.0, be, 0.0), axis=0,
                      keepdims=True)
    be = jnp.where(b_col < nreal_b, be, jnp.broadcast_to(be_last, (NBMAX, 1)))
    be_ref[...] = be.astype(jnp.int32)
    nreal_ref[...] = nreal.astype(jnp.int32)


def _run_router(hs, Wg):
    return pl.pallas_call(
        _router_kernel,
        grid=(1,),
        in_specs=[
            pl.BlockSpec((T, D_MODEL), lambda i: (0, 0)),
            pl.BlockSpec((D_MODEL, NUM_EXPERTS), lambda i: (0, 0)),
        ],
        out_specs=[
            pl.BlockSpec((T, 1), lambda i: (0, 0)),
            pl.BlockSpec((T, 1), lambda i: (0, 0)),
            pl.BlockSpec((T, 1), lambda i: (0, 0)),
            pl.BlockSpec((T, 1), lambda i: (0, 0)),
            pl.BlockSpec((NBMAX, 1), lambda i: (0, 0)),
            pl.BlockSpec((1, 1), lambda i: (0, 0)),
        ],
        out_shape=[
            jax.ShapeDtypeStruct((T, 1), jnp.int32),
            jax.ShapeDtypeStruct((T, 1), jnp.int32),
            jax.ShapeDtypeStruct((T, 1), jnp.float32),
            jax.ShapeDtypeStruct((T, 1), jnp.float32),
            jax.ShapeDtypeStruct((NBMAX, 1), jnp.int32),
            jax.ShapeDtypeStruct((1, 1), jnp.int32),
        ],
    )(hs, Wg)



_NC = 2
_NS = 16
_NW = _NC * _NS
_BPW = NPAIR // _NW
_CHUNK = 64


def _sc_scatter(hs, pos):
    mesh = plsc.VectorSubcoreMesh(core_axis_name="c", subcore_axis_name="s")

    @functools.partial(
        pl.kernel, mesh=mesh,
        out_type=jax.ShapeDtypeStruct((P, D_MODEL), jnp.float32),
        scratch_types=[
            pltpu.VMEM((_CHUNK,), jnp.int32),
            pltpu.VMEM((_CHUNK, D_MODEL), jnp.float32),
            pltpu.SemaphoreType.DMA,
        ],
    )
    def k(hs_hbm, pos_hbm, x_hbm, idx_v, rows_v, sem):
        wid = lax.axis_index("s") * _NC + lax.axis_index("c")
        base = wid * _BPW
        src_base = base - jnp.where(base >= T, T, 0)
        for c in range(_BPW // _CHUNK):
            off = c * _CHUNK
            pltpu.sync_copy(pos_hbm.at[pl.ds(base + off, _CHUNK)], idx_v)
            pltpu.sync_copy(hs_hbm.at[pl.ds(src_base + off, _CHUNK)], rows_v)
            pltpu.async_copy(rows_v, x_hbm.at[idx_v], sem).wait()

    return k(hs, pos)


def _sc_gather(y, pos):
    mesh = plsc.VectorSubcoreMesh(core_axis_name="c", subcore_axis_name="s")

    @functools.partial(
        pl.kernel, mesh=mesh,
        out_type=jax.ShapeDtypeStruct((NPAIR, D_MODEL), jnp.float32),
        scratch_types=[
            pltpu.VMEM((_CHUNK,), jnp.int32),
            pltpu.VMEM((_CHUNK, D_MODEL), jnp.float32),
            pltpu.SemaphoreType.DMA,
        ],
    )
    def k(y_hbm, pos_hbm, out_hbm, idx_v, rows_v, sem):
        wid = lax.axis_index("s") * _NC + lax.axis_index("c")
        base = wid * _BPW
        for c in range(_BPW // _CHUNK):
            off = c * _CHUNK
            pltpu.sync_copy(pos_hbm.at[pl.ds(base + off, _CHUNK)], idx_v)
            pltpu.async_copy(y_hbm.at[idx_v], rows_v, sem).wait()
            pltpu.sync_copy(rows_v, out_hbm.at[pl.ds(base + off, _CHUNK)])

    return k(y, pos)




def _gateup_kernel(be_ref, nr_ref, x_ref, wg_ref, wu_ref, h_ref):
    i = pl.program_id(1)

    @pl.when(i < nr_ref[0])
    def _():
        x32 = x_ref[...]
        g = lax.dot_general(x32, wg_ref[0], (((1,), (0,)), ((), ())),
                            preferred_element_type=jnp.float32)
        u = lax.dot_general(x32, wu_ref[0], (((1,), (0,)), ((), ())),
                            preferred_element_type=jnp.float32)
        h_ref[...] = ((g * lax.logistic(g)) * u).astype(jnp.bfloat16)


def _down_kernel(be_ref, nr_ref, h_ref, wd_ref, y_ref):
    i = pl.program_id(0)

    @pl.when(i < nr_ref[0])
    def _():
        y_ref[...] = lax.dot_general(h_ref[...].astype(jnp.float32), wd_ref[0],
                                     (((1,), (0,)), ((), ())),
                                     preferred_element_type=jnp.float32)


def _run_gateup(x, W_gate, W_up, be, nreal):
    def xmap(j, i, be_s, nr_s):
        return (jnp.where(i < nr_s[0], i, NBMAX - 1), 0)

    def wmap(j, i, be_s, nr_s):
        return (be_s[i], 0, j)

    return pl.pallas_call(
        _gateup_kernel,
        grid_spec=pltpu.PrefetchScalarGridSpec(
            num_scalar_prefetch=2,
            grid=(NJ, NBMAX),
            in_specs=[
                pl.BlockSpec((BT, D_MODEL), xmap),
                pl.BlockSpec((1, D_MODEL, FT), wmap),
                pl.BlockSpec((1, D_MODEL, FT), wmap),
            ],
            out_specs=pl.BlockSpec(
                (BT, FT),
                lambda j, i, be_s, nr_s: (jnp.where(i < nr_s[0], i,
                                                    NBMAX - 1), j)),
        ),
        out_shape=jax.ShapeDtypeStruct((P, D_FF), jnp.bfloat16),
    )(be, nreal, x, W_gate, W_up)


def _run_down(h, W_down, be, nreal):
    return pl.pallas_call(
        _down_kernel,
        grid_spec=pltpu.PrefetchScalarGridSpec(
            num_scalar_prefetch=2,
            grid=(NBMAX,),
            in_specs=[
                pl.BlockSpec(
                    (BT, D_FF),
                    lambda i, be_s, nr_s: (jnp.where(i < nr_s[0], i,
                                                     NBMAX - 1), 0)),
                pl.BlockSpec((1, D_FF, D_MODEL),
                             lambda i, be_s, nr_s: (be_s[i], 0, 0)),
            ],
            out_specs=pl.BlockSpec(
                (BT, D_MODEL),
                lambda i, be_s, nr_s: (jnp.where(i < nr_s[0], i,
                                                 NBMAX - 1), 0)),
        ),
        out_shape=jax.ShapeDtypeStruct((P, D_MODEL), jnp.float32),
    )(be, nreal, h, W_down)




def _combine_kernel(ab_ref, cw0_ref, cw1_ref, out_ref):
    out_ref[...] = ab_ref[0] * cw0_ref[...] + ab_ref[1] * cw1_ref[...]


def _run_combine(ab, cw0, cw1):
    return pl.pallas_call(
        _combine_kernel,
        grid=(1,),
        in_specs=[
            pl.BlockSpec((2, T, D_MODEL), lambda i: (0, 0, 0)),
            pl.BlockSpec((T, 1), lambda i: (0, 0)),
            pl.BlockSpec((T, 1), lambda i: (0, 0)),
        ],
        out_specs=pl.BlockSpec((T, D_MODEL), lambda i: (0, 0)),
        out_shape=jax.ShapeDtypeStruct((T, D_MODEL), jnp.float32),
    )(ab, cw0, cw1)


def kernel(hidden_states, Wg, W_gate, W_up, W_down):
    B, S, D = hidden_states.shape
    hs = hidden_states.reshape(-1, D)
    pos0, pos1, cw0, cw1, be, nreal = _run_router(hs, Wg)
    pos = jnp.concatenate([pos0, pos1], axis=0).reshape(NPAIR)
    be1 = be.reshape(NBMAX)
    nr1 = nreal.reshape(1)
    x = _sc_scatter(hs, pos)
    h = _run_gateup(x, W_gate, W_up, be1, nr1)
    y = _run_down(h, W_down, be1, nr1)
    ab = _sc_gather(y, pos).reshape(TOP_K, T, D_MODEL)
    out = _run_combine(ab, cw0, cw1)
    return out.reshape(B, S, D)

# --- scband reference (transcript-rebuilt; emitter-appended) ---
"""Pipeline reference for scband-mlp-13752485282388 (READ-ONLY COPY).

The authoritative reference and input builder live on the scoring server;
editing this copy changes nothing except your own understanding.
"""

import jax, jax.numpy as jnp
import numpy as np

NUM_EXPERTS = 8
TOP_K = 2
D_MODEL = 1024
D_FF = 2816
NORM_TOPK_PROB = True
BATCH = 1
SEQ = 2048


def setup_inputs(seed: int = 0) -> dict:
    key = jax.random.key(seed)
    ks = jax.random.split(key, 5)
    hidden_states = jax.random.normal(ks[0], (BATCH, SEQ, D_MODEL), dtype=jnp.float32)
    Wg = jax.random.normal(ks[1], (D_MODEL, NUM_EXPERTS), dtype=jnp.float32) * 0.02
    W_gate = jax.random.normal(ks[2], (NUM_EXPERTS, D_MODEL, D_FF), dtype=jnp.float32) * 0.02
    W_up = jax.random.normal(ks[3], (NUM_EXPERTS, D_MODEL, D_FF), dtype=jnp.float32) * 0.02
    W_down = jax.random.normal(ks[4], (NUM_EXPERTS, D_FF, D_MODEL), dtype=jnp.float32) * 0.02
    return {"hidden_states": hidden_states, "Wg": Wg, "W_gate": W_gate, "W_up": W_up, "W_down": W_down}


def reference(hidden_states, Wg, W_gate, W_up, W_down):
    B, S, D = hidden_states.shape
    hs = hidden_states.reshape(-1, D)
    # router
    router_logits = hs @ Wg
    routing_weights = jax.nn.softmax(router_logits.astype(jnp.float32), axis=-1)
    rw_top, selected_experts = jax.lax.top_k(routing_weights, TOP_K)
    if NORM_TOPK_PROB:
        rw_top = rw_top / jnp.sum(rw_top, axis=-1, keepdims=True)
    rw_top = rw_top.astype(hs.dtype)
    # per-token per-expert combine weight (0 for unselected experts)
    onehot = jax.nn.one_hot(selected_experts, NUM_EXPERTS, dtype=hs.dtype)  # [T, k, E]
    w_te = jnp.einsum('tk,tke->te', rw_top, onehot)  # [T, E]

    def expert_fn(Wge, Wue, Wde):
        return (jax.nn.silu(hs @ Wge) * (hs @ Wue)) @ Wde

    expert_outs = jax.vmap(expert_fn)(W_gate, W_up, W_down)  # [E, T, D]
    final = jnp.einsum('etd,te->td', expert_outs, w_te)
    return final.reshape(B, S, D)

if __name__ == "__main__":
    import jax
    _d = setup_inputs()
    print(jax.jit(kernel)(*tuple(_d.values())))

</pallas_src>

<mosaic_0001>
#map = affine_map<(d0, d1) -> (0, 0)>
#map1 = affine_map<(d0, d1) -> (0)>
module attributes {stable_mosaic.version = 14 : i64} {
  func.func @k(%arg0: i32, %arg1: i32, %arg2: memref<2048x1024xf32, #tpu.memory_space<hbm>>, %arg3: memref<4096xi32, #tpu.memory_space<hbm>>, %arg4: memref<6144x1024xf32, #tpu.memory_space<hbm>>, %arg5: memref<64xi32, #tpu.memory_space<vmem>>, %arg6: memref<64x1024xf32, #tpu.memory_space<vmem>>, %arg7: memref<!tpu.dma_semaphore, #tpu.memory_space<semaphore_mem>>) attributes {dimension_semantics = [#tpu.dimension_semantics<core_parallel>, #tpu.dimension_semantics<subcore_parallel>], iteration_bounds = array<i64: 2, 16>, scalar_prefetch = 0 : i64, scratch_operands = 3 : i64, tpu.core_type = #tpu.core_type<sc_vector_subcore>, window_params = [{transform_indices = #map}, {transform_indices = #map1}, {transform_indices = #map}]} {
    %mul3A = arith.constant 2 : i32
    %mul3A_0 = arith.muli %arg1, %mul3A : i32
    %add3A = arith.addi %mul3A_0, %arg0 : i32
    %mul3A_1 = arith.constant 128 : i32
    %mul3A_2 = arith.muli %add3A, %mul3A_1 : i32
    %ge3A = arith.constant 2048 : i32
    %ge3A_3 = arith.cmpi sge, %mul3A_2, %ge3A : i32
    %jit3A = arith.constant 2048 : i32
    %jit3A_4 = arith.constant 0 : i32
    %select_n3A = arith.select %ge3A_3, %jit3A, %jit3A_4 : i32
    %sub3A = arith.subi %mul3A_2, %select_n3A : i32
    %add3A_5 = arith.constant 0 : i32
    %add3A_6 = arith.addi %mul3A_2, %add3A_5 : i32
    "tpu.region"() ({
      %run_scoped3A = tpu.sem_alloc : memref<!tpu.dma_semaphore, #tpu.memory_space<semaphore_mem>>
      %dma_start3A_23 = tpu.memref_slice %arg3[%add3A_6] : memref<4096xi32, #tpu.memory_space<hbm>> -> memref<64xi32, #tpu.memory_space<hbm>>
      %dma_start3A_24 = tpu.memref_slice %arg3[%add3A_6] : memref<4096xi32, #tpu.memory_space<hbm>> -> memref<64xi32, #tpu.memory_space<hbm>>
      tpu.enqueue_dma source(%dma_start3A_24 : memref<64xi32, #tpu.memory_space<hbm>>) target(%arg5 : memref<64xi32, #tpu.memory_space<vmem>>) target_semaphore(%run_scoped3A : memref<!tpu.dma_semaphore, #tpu.memory_space<semaphore_mem>>)
      %dma_wait3A_25 = tpu.memref_slice %arg3[%add3A_6] : memref<4096xi32, #tpu.memory_space<hbm>> -> memref<64xi32, #tpu.memory_space<hbm>>
      %dma_wait3A_26 = tpu.memref_slice %arg3[%add3A_6] : memref<4096xi32, #tpu.memory_space<hbm>> -> memref<64xi32, #tpu.memory_space<hbm>>
      tpu.wait_dma2 semaphore(%run_scoped3A : memref<!tpu.dma_semaphore, #tpu.memory_space<semaphore_mem>>) src(%dma_wait3A_26 : memref<64xi32, #tpu.memory_space<hbm>>) dst(%arg5 : memref<64xi32, #tpu.memory_space<vmem>>)
      tpu.yield
    }) : () -> ()
    %add3A_7 = arith.constant 0 : i32
    %add3A_8 = arith.addi %sub3A, %add3A_7 : i32
    "tpu.region"() ({
      %run_scoped3A = tpu.sem_alloc : memref<!tpu.dma_semaphore, #tpu.memory_space<semaphore_mem>>
      %dma_start3A_23 = arith.constant 0 : i32
      %dma_start3A_24 = tpu.memref_slice %arg2[%add3A_8, %dma_start3A_23] : memref<2048x1024xf32, #tpu.memory_space<hbm>> -> memref<64x1024xf32, #tpu.memory_space<hbm>>
      %dma_start3A_25 = arith.constant 0 : i32
      %dma_start3A_26 = tpu.memref_slice %arg2[%add3A_8, %dma_start3A_25] : memref<2048x1024xf32, #tpu.memory_space<hbm>> -> memref<64x1024xf32, #tpu.memory_space<hbm>>
      tpu.enqueue_dma source(%dma_start3A_26 : memref<64x1024xf32, #tpu.memory_space<hbm>>) target(%arg6 : memref<64x1024xf32, #tpu.memory_space<vmem>>) target_semaphore(%run_scoped3A : memref<!tpu.dma_semaphore, #tpu.memory_space<semaphore_mem>>)
      %dma_wait3A_27 = arith.constant 0 : i32
      %dma_wait3A_28 = tpu.memref_slice %arg2[%add3A_8, %dma_wait3A_27] : memref<2048x1024xf32, #tpu.memory_space<hbm>> -> memref<64x1024xf32, #tpu.memory_space<hbm>>
      %dma_wait3A_29 = arith.constant 0 : i32
      %dma_wait3A_30 = tpu.memref_slice %arg2[%add3A_8, %dma_wait3A_29] : memref<2048x1024xf32, #tpu.memory_space<hbm>> -> memref<64x1024xf32, #tpu.memory_space<hbm>>
      tpu.wait_dma2 semaphore(%run_scoped3A : memref<!tpu.dma_semaphore, #tpu.memory_space<semaphore_mem>>) src(%dma_wait3A_30 : memref<64x1024xf32, #tpu.memory_space<hbm>>) dst(%arg6 : memref<64x1024xf32, #tpu.memory_space<vmem>>)
      tpu.yield
    }) : () -> ()
    %dma_start3A = arith.constant 0 : i32
    %dma_start3A_9 = arith.constant 0 : i32
    %dma_start3A_10 = tpu.memref_slice %arg4[%dma_start3A, %dma_start3A_9] : memref<6144x1024xf32, #tpu.memory_space<hbm>> -> memref<6144x1024xf32, #tpu.memory_space<hbm>>
    tpu.enqueue_indirect_dma source(%arg6 : memref<64x1024xf32, #tpu.memory_space<vmem>>) target(%dma_start3A_10 : memref<6144x1024xf32, #tpu.memory_space<hbm>>) offsets(%arg5 : memref<64xi32, #tpu.memory_space<vmem>>) semaphore(%arg7 : memref<!tpu.dma_semaphore, #tpu.memory_space<semaphore_mem>>)
    %dma_wait3A = arith.constant 0 : i32
    %dma_wait3A_11 = arith.constant 0 : i32
    %dma_wait3A_12 = tpu.memref_slice %arg4[%dma_wait3A, %dma_wait3A_11] : memref<6144x1024xf32, #tpu.memory_space<hbm>> -> memref<6144x1024xf32, #tpu.memory_space<hbm>>
    tpu.wait_indirect_dma semaphore(%arg7 : memref<!tpu.dma_semaphore, #tpu.memory_space<semaphore_mem>>) src(%arg6 : memref<64x1024xf32, #tpu.memory_space<vmem>>) dst(%dma_wait3A_12 : memref<6144x1024xf32, #tpu.memory_space<hbm>>)
    %add3A_13 = arith.constant 64 : i32
    %add3A_14 = arith.addi %mul3A_2, %add3A_13 : i32
    "tpu.region"() ({
      %run_scoped3A = tpu.sem_alloc : memref<!tpu.dma_semaphore, #tpu.memory_space<semaphore_mem>>
      %dma_start3A_23 = tpu.memref_slice %arg3[%add3A_14] : memref<4096xi32, #tpu.memory_space<hbm>> -> memref<64xi32, #tpu.memory_space<hbm>>
      %dma_start3A_24 = tpu.memref_slice %arg3[%add3A_14] : memref<4096xi32, #tpu.memory_space<hbm>> -> memref<64xi32, #tpu.memory_space<hbm>>
      tpu.enqueue_dma source(%dma_start3A_24 : memref<64xi32, #tpu.memory_space<hbm>>) target(%arg5 : memref<64xi32, #tpu.memory_space<vmem>>) target_semaphore(%run_scoped3A : memref<!tpu.dma_semaphore, #tpu.memory_space<semaphore_mem>>)
      %dma_wait3A_25 = tpu.memref_slice %arg3[%add3A_14] : memref<4096xi32, #tpu.memory_space<hbm>> -> memref<64xi32, #tpu.memory_space<hbm>>
      %dma_wait3A_26 = tpu.memref_slice %arg3[%add3A_14] : memref<4096xi32, #tpu.memory_space<hbm>> -> memref<64xi32, #tpu.memory_space<hbm>>
      tpu.wait_dma2 semaphore(%run_scoped3A : memref<!tpu.dma_semaphore, #tpu.memory_space<semaphore_mem>>) src(%dma_wait3A_26 : memref<64xi32, #tpu.memory_space<hbm>>) dst(%arg5 : memref<64xi32, #tpu.memory_space<vmem>>)
      tpu.yield
    }) : () -> ()
    %add3A_15 = arith.constant 64 : i32
    %add3A_16 = arith.addi %sub3A, %add3A_15 : i32
    "tpu.region"() ({
      %run_scoped3A = tpu.sem_alloc : memref<!tpu.dma_semaphore, #tpu.memory_space<semaphore_mem>>
      %dma_start3A_23 = arith.constant 0 : i32
      %dma_start3A_24 = tpu.memref_slice %arg2[%add3A_16, %dma_start3A_23] : memref<2048x1024xf32, #tpu.memory_space<hbm>> -> memref<64x1024xf32, #tpu.memory_space<hbm>>
      %dma_start3A_25 = arith.constant 0 : i32
      %dma_start3A_26 = tpu.memref_slice %arg2[%add3A_16, %dma_start3A_25] : memref<2048x1024xf32, #tpu.memory_space<hbm>> -> memref<64x1024xf32, #tpu.memory_space<hbm>>
      tpu.enqueue_dma source(%dma_start3A_26 : memref<64x1024xf32, #tpu.memory_space<hbm>>) target(%arg6 : memref<64x1024xf32, #tpu.memory_space<vmem>>) target_semaphore(%run_scoped3A : memref<!tpu.dma_semaphore, #tpu.memory_space<semaphore_mem>>)
      %dma_wait3A_27 = arith.constant 0 : i32
      %dma_wait3A_28 = tpu.memref_slice %arg2[%add3A_16, %dma_wait3A_27] : memref<2048x1024xf32, #tpu.memory_space<hbm>> -> memref<64x1024xf32, #tpu.memory_space<hbm>>
      %dma_wait3A_29 = arith.constant 0 : i32
      %dma_wait3A_30 = tpu.memref_slice %arg2[%add3A_16, %dma_wait3A_29] : memref<2048x1024xf32, #tpu.memory_space<hbm>> -> memref<64x1024xf32, #tpu.memory_space<hbm>>
      tpu.wait_dma2 semaphore(%run_scoped3A : memref<!tpu.dma_semaphore, #tpu.memory_space<semaphore_mem>>) src(%dma_wait3A_30 : memref<64x1024xf32, #tpu.memory_space<hbm>>) dst(%arg6 : memref<64x1024xf32, #tpu.memory_space<vmem>>)
      tpu.yield
    }) : () -> ()
    %dma_start3A_17 = arith.constant 0 : i32
    %dma_start3A_18 = arith.constant 0 : i32
    %dma_start3A_19 = tpu.memref_slice %arg4[%dma_start3A_17, %dma_start3A_18] : memref<6144x1024xf32, #tpu.memory_space<hbm>> -> memref<6144x1024xf32, #tpu.memory_space<hbm>>
    tpu.enqueue_indirect_dma source(%arg6 : memref<64x1024xf32, #tpu.memory_space<vmem>>) target(%dma_start3A_19 : memref<6144x1024xf32, #tpu.memory_space<hbm>>) offsets(%arg5 : memref<64xi32, #tpu.memory_space<vmem>>) semaphore(%arg7 : memref<!tpu.dma_semaphore, #tpu.memory_space<semaphore_mem>>)
    %dma_wait3A_20 = arith.constant 0 : i32
    %dma_wait3A_21 = arith.constant 0 : i32
    %dma_wait3A_22 = tpu.memref_slice %arg4[%dma_wait3A_20, %dma_wait3A_21] : memref<6144x1024xf32, #tpu.memory_space<hbm>> -> memref<6144x1024xf32, #tpu.memory_space<hbm>>
    tpu.wait_indirect_dma semaphore(%arg7 : memref<!tpu.dma_semaphore, #tpu.memory_space<semaphore_mem>>) src(%arg6 : memref<64x1024xf32, #tpu.memory_space<vmem>>) dst(%dma_wait3A_22 : memref<6144x1024xf32, #tpu.memory_space<hbm>>)
    return
  }
}

#map = affine_map<(d0, d1) -> (0, 0)>
#map1 = affine_map<(d0, d1) -> (0)>
module attributes {stable_mosaic.version = 14 : i64} {
  func.func @k(%arg0: i32, %arg1: i32, %arg2: memref<6144x1024xf32, #tpu.memory_space<hbm>>, %arg3: memref<4096xi32, #tpu.memory_space<hbm>>, %arg4: memref<4096x1024xf32, #tpu.memory_space<hbm>>, %arg5: memref<64xi32, #tpu.memory_space<vmem>>, %arg6: memref<64x1024xf32, #tpu.memory_space<vmem>>, %arg7: memref<!tpu.dma_semaphore, #tpu.memory_space<semaphore_mem>>) attributes {dimension_semantics = [#tpu.dimension_semantics<core_parallel>, #tpu.dimension_semantics<subcore_parallel>], iteration_bounds = array<i64: 2, 16>, scalar_prefetch = 0 : i64, scratch_operands = 3 : i64, tpu.core_type = #tpu.core_type<sc_vector_subcore>, window_params = [{transform_indices = #map}, {transform_indices = #map1}, {transform_indices = #map}]} {
    %mul3A = arith.constant 2 : i32
    %mul3A_0 = arith.muli %arg1, %mul3A : i32
    %add3A = arith.addi %mul3A_0, %arg0 : i32
    %mul3A_1 = arith.constant 128 : i32
    %mul3A_2 = arith.muli %add3A, %mul3A_1 : i32
    %add3A_3 = arith.constant 0 : i32
    %add3A_4 = arith.addi %mul3A_2, %add3A_3 : i32
    "tpu.region"() ({
      %run_scoped3A = tpu.sem_alloc : memref<!tpu.dma_semaphore, #tpu.memory_space<semaphore_mem>>
      %dma_start3A_21 = tpu.memref_slice %arg3[%add3A_4] : memref<4096xi32, #tpu.memory_space<hbm>> -> memref<64xi32, #tpu.memory_space<hbm>>
      %dma_start3A_22 = tpu.memref_slice %arg3[%add3A_4] : memref<4096xi32, #tpu.memory_space<hbm>> -> memref<64xi32, #tpu.memory_space<hbm>>
      tpu.enqueue_dma source(%dma_start3A_22 : memref<64xi32, #tpu.memory_space<hbm>>) target(%arg5 : memref<64xi32, #tpu.memory_space<vmem>>) target_semaphore(%run_scoped3A : memref<!tpu.dma_semaphore, #tpu.memory_space<semaphore_mem>>)
      %dma_wait3A_23 = tpu.memref_slice %arg3[%add3A_4] : memref<4096xi32, #tpu.memory_space<hbm>> -> memref<64xi32, #tpu.memory_space<hbm>>
      %dma_wait3A_24 = tpu.memref_slice %arg3[%add3A_4] : memref<4096xi32, #tpu.memory_space<hbm>> -> memref<64xi32, #tpu.memory_space<hbm>>
      tpu.wait_dma2 semaphore(%run_scoped3A : memref<!tpu.dma_semaphore, #tpu.memory_space<semaphore_mem>>) src(%dma_wait3A_24 : memref<64xi32, #tpu.memory_space<hbm>>) dst(%arg5 : memref<64xi32, #tpu.memory_space<vmem>>)
      tpu.yield
    }) : () -> ()
    %dma_start3A = arith.constant 0 : i32
    %dma_start3A_5 = arith.constant 0 : i32
    %dma_start3A_6 = tpu.memref_slice %arg2[%dma_start3A, %dma_start3A_5] : memref<6144x1024xf32, #tpu.memory_space<hbm>> -> memref<6144x1024xf32, #tpu.memory_space<hbm>>
    tpu.enqueue_indirect_dma source(%dma_start3A_6 : memref<6144x1024xf32, #tpu.memory_space<hbm>>) target(%arg6 : memref<64x1024xf32, #tpu.memory_space<vmem>>) offsets(%arg5 : memref<64xi32, #tpu.memory_space<vmem>>) semaphore(%arg7 : memref<!tpu.dma_semaphore, #tpu.memory_space<semaphore_mem>>)
    %dma_wait3A = arith.constant 0 : i32
    %dma_wait3A_7 = arith.constant 0 : i32
    %dma_wait3A_8 = tpu.memref_slice %arg2[%dma_wait3A, %dma_wait3A_7] : memref<6144x1024xf32, #tpu.memory_space<hbm>> -> memref<6144x1024xf32, #tpu.memory_space<hbm>>
    tpu.wait_indirect_dma semaphore(%arg7 : memref<!tpu.dma_semaphore, #tpu.memory_space<semaphore_mem>>) src(%dma_wait3A_8 : memref<6144x1024xf32, #tpu.memory_space<hbm>>) dst(%arg6 : memref<64x1024xf32, #tpu.memory_space<vmem>>)
    %add3A_9 = arith.constant 0 : i32
    %add3A_10 = arith.addi %mul3A_2, %add3A_9 : i32
    "tpu.region"() ({
      %run_scoped3A = tpu.sem_alloc : memref<!tpu.dma_semaphore, #tpu.memory_space<semaphore_mem>>
      %dma_start3A_21 = arith.constant 0 : i32
      %dma_start3A_22 = tpu.memref_slice %arg4[%add3A_10, %dma_start3A_21] : memref<4096x1024xf32, #tpu.memory_space<hbm>> -> memref<64x1024xf32, #tpu.memory_space<hbm>>
      %dma_start3A_23 = arith.constant 0 : i32
      %dma_start3A_24 = tpu.memref_slice %arg4[%add3A_10, %dma_start3A_23] : memref<4096x1024xf32, #tpu.memory_space<hbm>> -> memref<64x1024xf32, #tpu.memory_space<hbm>>
      tpu.enqueue_dma source(%arg6 : memref<64x1024xf32, #tpu.memory_space<vmem>>) target(%dma_start3A_24 : memref<64x1024xf32, #tpu.memory_space<hbm>>) target_semaphore(%run_scoped3A : memref<!tpu.dma_semaphore, #tpu.memory_space<semaphore_mem>>)
      %dma_wait3A_25 = arith.constant 0 : i32
      %dma_wait3A_26 = tpu.memref_slice %arg4[%add3A_10, %dma_wait3A_25] : memref<4096x1024xf32, #tpu.memory_space<hbm>> -> memref<64x1024xf32, #tpu.memory_space<hbm>>
      %dma_wait3A_27 = arith.constant 0 : i32
      %dma_wait3A_28 = tpu.memref_slice %arg4[%add3A_10, %dma_wait3A_27] : memref<4096x1024xf32, #tpu.memory_space<hbm>> -> memref<64x1024xf32, #tpu.memory_space<hbm>>
      tpu.wait_dma2 semaphore(%run_scoped3A : memref<!tpu.dma_semaphore, #tpu.memory_space<semaphore_mem>>) src(%arg6 : memref<64x1024xf32, #tpu.memory_space<vmem>>) dst(%dma_wait3A_28 : memref<64x1024xf32, #tpu.memory_space<hbm>>)
      tpu.yield
    }) : () -> ()
    %add3A_11 = arith.constant 64 : i32
    %add3A_12 = arith.addi %mul3A_2, %add3A_11 : i32
    "tpu.region"() ({
      %run_scoped3A = tpu.sem_alloc : memref<!tpu.dma_semaphore, #tpu.memory_space<semaphore_mem>>
      %dma_start3A_21 = tpu.memref_slice %arg3[%add3A_12] : memref<4096xi32, #tpu.memory_space<hbm>> -> memref<64xi32, #tpu.memory_space<hbm>>
      %dma_start3A_22 = tpu.memref_slice %arg3[%add3A_12] : memref<4096xi32, #tpu.memory_space<hbm>> -> memref<64xi32, #tpu.memory_space<hbm>>
      tpu.enqueue_dma source(%dma_start3A_22 : memref<64xi32, #tpu.memory_space<hbm>>) target(%arg5 : memref<64xi32, #tpu.memory_space<vmem>>) target_semaphore(%run_scoped3A : memref<!tpu.dma_semaphore, #tpu.memory_space<semaphore_mem>>)
      %dma_wait3A_23 = tpu.memref_slice %arg3[%add3A_12] : memref<4096xi32, #tpu.memory_space<hbm>> -> memref<64xi32, #tpu.memory_space<hbm>>
      %dma_wait3A_24 = tpu.memref_slice %arg3[%add3A_12] : memref<4096xi32, #tpu.memory_space<hbm>> -> memref<64xi32, #tpu.memory_space<hbm>>
      tpu.wait_dma2 semaphore(%run_scoped3A : memref<!tpu.dma_semaphore, #tpu.memory_space<semaphore_mem>>) src(%dma_wait3A_24 : memref<64xi32, #tpu.memory_space<hbm>>) dst(%arg5 : memref<64xi32, #tpu.memory_space<vmem>>)
      tpu.yield
    }) : () -> ()
    %dma_start3A_13 = arith.constant 0 : i32
    %dma_start3A_14 = arith.constant 0 : i32
    %dma_start3A_15 = tpu.memref_slice %arg2[%dma_start3A_13, %dma_start3A_14] : memref<6144x1024xf32, #tpu.memory_space<hbm>> -> memref<6144x1024xf32, #tpu.memory_space<hbm>>
    tpu.enqueue_indirect_dma source(%dma_start3A_15 : memref<6144x1024xf32, #tpu.memory_space<hbm>>) target(%arg6 : memref<64x1024xf32, #tpu.memory_space<vmem>>) offsets(%arg5 : memref<64xi32, #tpu.memory_space<vmem>>) semaphore(%arg7 : memref<!tpu.dma_semaphore, #tpu.memory_space<semaphore_mem>>)
    %dma_wait3A_16 = arith.constant 0 : i32
    %dma_wait3A_17 = arith.constant 0 : i32
    %dma_wait3A_18 = tpu.memref_slice %arg2[%dma_wait3A_16, %dma_wait3A_17] : memref<6144x1024xf32, #tpu.memory_space<hbm>> -> memref<6144x1024xf32, #tpu.memory_space<hbm>>
    tpu.wait_indirect_dma semaphore(%arg7 : memref<!tpu.dma_semaphore, #tpu.memory_space<semaphore_mem>>) src(%dma_wait3A_18 : memref<6144x1024xf32, #tpu.memory_space<hbm>>) dst(%arg6 : memref<64x1024xf32, #tpu.memory_space<vmem>>)
    %add3A_19 = arith.constant 64 : i32
    %add3A_20 = arith.addi %mul3A_2, %add3A_19 : i32
    "tpu.region"() ({
      %run_scoped3A = tpu.sem_alloc : memref<!tpu.dma_semaphore, #tpu.memory_space<semaphore_mem>>
      %dma_start3A_21 = arith.constant 0 : i32
      %dma_start3A_22 = tpu.memref_slice %arg4[%add3A_20, %dma_start3A_21] : memref<4096x1024xf32, #tpu.memory_space<hbm>> -> memref<64x1024xf32, #tpu.memory_space<hbm>>
      %dma_start3A_23 = arith.constant 0 : i32
      %dma_start3A_24 = tpu.memref_slice %arg4[%add3A_20, %dma_start3A_23] : memref<4096x1024xf32, #tpu.memory_space<hbm>> -> memref<64x1024xf32, #tpu.memory_space<hbm>>
      tpu.enqueue_dma source(%arg6 : memref<64x1024xf32, #tpu.memory_space<vmem>>) target(%dma_start3A_24 : memref<64x1024xf32, #tpu.memory_space<hbm>>) target_semaphore(%run_scoped3A : memref<!tpu.dma_semaphore, #tpu.memory_space<semaphore_mem>>)
      %dma_wait3A_25 = arith.constant 0 : i32
      %dma_wait3A_26 = tpu.memref_slice %arg4[%add3A_20, %dma_wait3A_25] : memref<4096x1024xf32, #tpu.memory_space<hbm>> -> memref<64x1024xf32, #tpu.memory_space<hbm>>
      %dma_wait3A_27 = arith.constant 0 : i32
      %dma_wait3A_28 = tpu.memref_slice %arg4[%add3A_20, %dma_wait3A_27] : memref<4096x1024xf32, #tpu.memory_space<hbm>> -> memref<64x1024xf32, #tpu.memory_space<hbm>>
      tpu.wait_dma2 semaphore(%run_scoped3A : memref<!tpu.dma_semaphore, #tpu.memory_space<semaphore_mem>>) src(%arg6 : memref<64x1024xf32, #tpu.memory_space<vmem>>) dst(%dma_wait3A_28 : memref<64x1024xf32, #tpu.memory_space<hbm>>)
      tpu.yield
    }) : () -> ()
    return
  }
}

module attributes {stable_mosaic.version = 14 : i64} {
  func.func @_router_kernel(%arg0: i32, %arg1: memref<2048x1024xf32, #tpu.memory_space<vmem>>, %arg2: memref<1024x8xf32, #tpu.memory_space<vmem>>, %arg3: memref<2048x1xi32, #tpu.memory_space<vmem>>, %arg4: memref<2048x1xi32, #tpu.memory_space<vmem>>, %arg5: memref<2048x1xf32, #tpu.memory_space<vmem>>, %arg6: memref<2048x1xf32, #tpu.memory_space<vmem>>, %arg7: memref<24x1xi32, #tpu.memory_space<vmem>>, %arg8: memref<1x1xi32, #tpu.memory_space<vmem>>) attributes {dimension_semantics = [#tpu.dimension_semantics<arbitrary>], iteration_bounds = array<i64: 1>, scalar_prefetch = 0 : i64, scratch_operands = 0 : i64, tpu.core_type = #tpu.core_type<tc>, window_params = [{pipeline_mode = #tpu.pipeline_mode<synchronous>, transform_indices = @transform_0, window_bounds = array<i64: 2048, 1024>}, {pipeline_mode = #tpu.pipeline_mode<synchronous>, transform_indices = @transform_1, window_bounds = array<i64: 1024, 8>}, {pipeline_mode = #tpu.pipeline_mode<synchronous>, transform_indices = @transform_2, window_bounds = array<i64: 2048, 1>}, {pipeline_mode = #tpu.pipeline_mode<synchronous>, transform_indices = @transform_3, window_bounds = array<i64: 2048, 1>}, {pipeline_mode = #tpu.pipeline_mode<synchronous>, transform_indices = @transform_4, window_bounds = array<i64: 2048, 1>}, {pipeline_mode = #tpu.pipeline_mode<synchronous>, transform_indices = @transform_5, window_bounds = array<i64: 2048, 1>}, {pipeline_mode = #tpu.pipeline_mode<synchronous>, transform_indices = @transform_6, window_bounds = array<i64: 24, 1>}, {pipeline_mode = #tpu.pipeline_mode<synchronous>, transform_indices = @transform_7, window_bounds = array<i64: 1, 1>}]} {
    %get3A = arith.constant 0 : index
    %get3A_0 = arith.constant 0 : index
    %get3A_1 = vector.load %arg1[%get3A, %get3A_0] : memref<2048x1024xf32, #tpu.memory_space<vmem>>, vector<2048x1024xf32>
    %get3A_2 = arith.constant 0 : index
    %get3A_3 = arith.constant 0 : index
    %get3A_4 = vector.load %arg2[%get3A_2, %get3A_3] : memref<1024x8xf32, #tpu.memory_space<vmem>>, vector<1024x8xf32>
    %dot_general3A = arith.constant dense<0.000000e+00> : vector<2048x8xf32>
    %dot_general3A_5 = tpu.matmul %get3A_1, %get3A_4, %dot_general3A {dimension_numbers = #tpu.dot_dimension_numbers<[1], [0], [0], [1], [0, 0, 1, 1], [], []>, transpose_lhs_hint = false} : vector<2048x1024xf32>, vector<1024x8xf32>, vector<2048x8xf32> -> vector<2048x8xf32>
    %reduce_max3A = arith.constant dense<0xFF800000> : vector<2048xf32>
    %reduce_max3A_6 = vector.multi_reduction <maximumf>, %dot_general3A_5, %reduce_max3A [1] : vector<2048x8xf32> to vector<2048xf32>
    %broadcast_in_dim3A = vector.shape_cast %reduce_max3A_6 : vector<2048xf32> to vector<2048x1xf32>
    %sub3A = vector.broadcast %broadcast_in_dim3A : vector<2048x1xf32> to vector<2048x8xf32>
    %sub3A_7 = arith.subf %dot_general3A_5, %sub3A : vector<2048x8xf32>
    %exp3A = math.exp %sub3A_7 : vector<2048x8xf32>
    %reduce_sum3A = arith.constant dense<0.000000e+00> : vector<2048xf32>
    %reduce_sum3A_8 = vector.multi_reduction <add>, %exp3A, %reduce_sum3A [1] : vector<2048x8xf32> to vector<2048xf32>
    %broadcast_in_dim3A_9 = vector.shape_cast %reduce_sum3A_8 : vector<2048xf32> to vector<2048x1xf32>
    %div3A = vector.broadcast %broadcast_in_dim3A_9 : vector<2048x1xf32> to vector<2048x8xf32>
    %div3A_10 = arith.divf %exp3A, %div3A : vector<2048x8xf32>
    %iota3A = tpu.iota {dimensions = array<i32: 1>} : vector<2048x8xi32>
    %reduce_max3A_11 = arith.constant dense<0xFF800000> : vector<2048xf32>
    %reduce_max3A_12 = vector.multi_reduction <maximumf>, %div3A_10, %reduce_max3A_11 [1] : vector<2048x8xf32> to vector<2048xf32>
    %broadcast_in_dim3A_13 = vector.shape_cast %reduce_max3A_12 : vector<2048xf32> to vector<2048x1xf32>
    %eq3A = vector.broadcast %broadcast_in_dim3A_13 : vector<2048x1xf32> to vector<2048x8xf32>
    %eq3A_14 = arith.cmpf oeq, %div3A_10, %eq3A : vector<2048x8xf32>
    %jit3A = arith.constant 8 : i32
    %broadcast_in_dim3A_15 = vector.broadcast %jit3A : i32 to vector<2048x8xi32>
    %select_n3A = arith.select %eq3A_14, %iota3A, %broadcast_in_dim3A_15 : vector<2048x8xi1>, vector<2048x8xi32>
    %reduce_min3A = arith.constant dense<2147483647> : vector<2048xi32>
    %reduce_min3A_16 = vector.multi_reduction <minsi>, %select_n3A, %reduce_min3A [1] : vector<2048x8xi32> to vector<2048xi32>
    %broadcast_in_dim3A_17 = vector.shape_cast %reduce_min3A_16 : vector<2048xi32> to vector<2048x1xi32>
    %eq3A_18 = vector.broadcast %broadcast_in_dim3A_17 : vector<2048x1xi32> to vector<2048x8xi32>
    %eq3A_19 = arith.cmpi eq, %iota3A, %eq3A_18 : vector<2048x8xi32>
    %jit3A_20 = arith.constant 0xFF800000 : f32
    %broadcast_in_dim3A_21 = vector.broadcast %jit3A_20 : f32 to vector<2048x8xf32>
    %select_n3A_22 = arith.select %eq3A_19, %broadcast_in_dim3A_21, %div3A_10 : vector<2048x8xi1>, vector<2048x8xf32>
    %reduce_max3A_23 = arith.constant dense<0xFF800000> : vector<2048xf32>
    %reduce_max3A_24 = vector.multi_reduction <maximumf>, %select_n3A_22, %reduce_max3A_23 [1] : vector<2048x8xf32> to vector<2048xf32>
    %broadcast_in_dim3A_25 = vector.shape_cast %reduce_max3A_24 : vector<2048xf32> to vector<2048x1xf32>
    %eq3A_26 = vector.broadcast %broadcast_in_dim3A_25 : vector<2048x1xf32> to vector<2048x8xf32>
    %eq3A_27 = arith.cmpf oeq, %select_n3A_22, %eq3A_26 : vector<2048x8xf32>
    %jit3A_28 = arith.constant 8 : i32
    %broadcast_in_dim3A_29 = vector.broadcast %jit3A_28 : i32 to vector<2048x8xi32>
    %select_n3A_30 = arith.select %eq3A_27, %iota3A, %broadcast_in_dim3A_29 : vector<2048x8xi1>, vector<2048x8xi32>
    %reduce_min3A_31 = arith.constant dense<2147483647> : vector<2048xi32>
    %reduce_min3A_32 = vector.multi_reduction <minsi>, %select_n3A_30, %reduce_min3A_31 [1] : vector<2048x8xi32> to vector<2048xi32>
    %broadcast_in_dim3A_33 = vector.shape_cast %reduce_min3A_32 : vector<2048xi32> to vector<2048x1xi32>
    %add3A = arith.addf %broadcast_in_dim3A_13, %broadcast_in_dim3A_25 : vector<2048x1xf32>
    %div3A_34 = arith.divf %broadcast_in_dim3A_13, %add3A : vector<2048x1xf32>
    %swap3A = arith.constant 0 : index
    %swap3A_35 = arith.constant 0 : index
    %swap3A_36 = vector.load %arg5[%swap3A, %swap3A_35] : memref<2048x1xf32, #tpu.memory_space<vmem>>, vector<2048x1xf32>
    tpu.vector_store %arg5[%swap3A, %swap3A_35], %div3A_34 {strides = array<i32>} : memref<2048x1xf32, #tpu.memory_space<vmem>>, vector<2048x1xf32>,
    %div3A_37 = arith.divf %broadcast_in_dim3A_25, %add3A : vector<2048x1xf32>
    %swap3A_38 = arith.constant 0 : index
    %swap3A_39 = arith.constant 0 : index
    %swap3A_40 = vector.load %arg6[%swap3A_38, %swap3A_39] : memref<2048x1xf32, #tpu.memory_space<vmem>>, vector<2048x1xf32>
    tpu.vector_store %arg6[%swap3A_38, %swap3A_39], %div3A_37 {strides = array<i32>} : memref<2048x1xf32, #tpu.memory_space<vmem>>, vector<2048x1xf32>,
    %eq3A_41 = vector.broadcast %broadcast_in_dim3A_17 : vector<2048x1xi32> to vector<2048x8xi32>
    %eq3A_42 = arith.cmpi eq, %iota3A, %eq3A_41 : vector<2048x8xi32>
    %eq3A_43 = vector.broadcast %broadcast_in_dim3A_33 : vector<2048x1xi32> to vector<2048x8xi32>
    %eq3A_44 = arith.cmpi eq, %iota3A, %eq3A_43 : vector<2048x8xi32>
    %convert_element_type3A = arith.extui %eq3A_42 : vector<2048x8xi1> to vector<2048x8xi32>
    %convert_element_type3A_45 = arith.sitofp %convert_element_type3A : vector<2048x8xi32> to vector<2048x8xf32>
    %convert_element_type3A_46 = arith.extui %eq3A_44 : vector<2048x8xi1> to vector<2048x8xi32>
    %convert_element_type3A_47 = arith.sitofp %convert_element_type3A_46 : vector<2048x8xi32> to vector<2048x8xf32>
    %iota3A_48 = tpu.iota {dimensions = array<i32: 0>} : vector<2048x2048xi32>
    %iota3A_49 = tpu.iota {dimensions = array<i32: 1>} : vector<2048x2048xi32>
    %lt3A = arith.cmpi slt, %iota3A_49, %iota3A_48 : vector<2048x2048xi32>
    %convert_element_type3A_50 = arith.extui %lt3A : vector<2048x2048xi1> to vector<2048x2048xi32>
    %convert_element_type3A_51 = arith.sitofp %convert_element_type3A_50 : vector<2048x2048xi32> to vector<2048x2048xf32>
    %convert_element_type3A_52 = arith.truncf %convert_element_type3A_51 : vector<2048x2048xf32> to vector<2048x2048xbf16>
    %convert_element_type3A_53 = arith.truncf %convert_element_type3A_45 : vector<2048x8xf32> to vector<2048x8xbf16>
    %dot_general3A_54 = arith.constant dense<0.000000e+00> : vector<2048x8xf32>
    %dot_general3A_55 = tpu.matmul %convert_element_type3A_52, %convert_element_type3A_53, %dot_general3A_54 {dimension_numbers = #tpu.dot_dimension_numbers<[1], [0], [0], [1], [0, 0, 1, 1], [], []>, transpose_lhs_hint = false} : vector<2048x2048xbf16>, vector<2048x8xbf16>, vector<2048x8xf32> -> vector<2048x8xf32>
    %convert_element_type3A_56 = arith.truncf %convert_element_type3A_47 : vector<2048x8xf32> to vector<2048x8xbf16>
    %dot_general3A_57 = arith.constant dense<0.000000e+00> : vector<2048x8xf32>
    %dot_general3A_58 = tpu.matmul %convert_element_type3A_52, %convert_element_type3A_56, %dot_general3A_57 {dimension_numbers = #tpu.dot_dimension_numbers<[1], [0], [0], [1], [0, 0, 1, 1], [], []>, transpose_lhs_hint = false} : vector<2048x2048xbf16>, vector<2048x8xbf16>, vector<2048x8xf32> -> vector<2048x8xf32>
    %reduce_sum3A_59 = arith.constant dense<0.000000e+00> : vector<8xf32>
    %reduce_sum3A_60 = vector.multi_reduction <add>, %convert_element_type3A_45, %reduce_sum3A_59 [0] : vector<2048x8xf32> to vector<8xf32>
    %broadcast_in_dim3A_61 = vector.shape_cast %reduce_sum3A_60 : vector<8xf32> to vector<1x8xf32>
    %reduce_sum3A_62 = arith.constant dense<0.000000e+00> : vector<8xf32>
    %reduce_sum3A_63 = vector.multi_reduction <add>, %convert_element_type3A_47, %reduce_sum3A_62 [0] : vector<2048x8xf32> to vector<8xf32>
    %broadcast_in_dim3A_64 = vector.shape_cast %reduce_sum3A_63 : vector<8xf32> to vector<1x8xf32>
    %add3A_65 = arith.addf %broadcast_in_dim3A_61, %broadcast_in_dim3A_64 : vector<1x8xf32>
    %add3A_66 = arith.constant 2.550000e+02 : f32
    %add3A_67 = vector.broadcast %add3A_66 : f32 to vector<1x8xf32>
    %add3A_68 = arith.addf %add3A_65, %add3A_67 : vector<1x8xf32>
    %mul3A = arith.constant 3.906250e-03 : f32
    %mul3A_69 = vector.broadcast %mul3A : f32 to vector<1x8xf32>
    %mul3A_70 = arith.mulf %add3A_68, %mul3A_69 : vector<1x8xf32>
    %floor3A = math.floor %mul3A_70 : vector<1x8xf32>
    %mul3A_71 = arith.constant 2.560000e+02 : f32
    %mul3A_72 = vector.broadcast %mul3A_71 : f32 to vector<1x8xf32>
    %mul3A_73 = arith.mulf %floor3A, %mul3A_72 : vector<1x8xf32>
    %iota3A_74 = tpu.iota {dimensions = array<i32: 0>} : vector<8x8xi32>
    %iota3A_75 = tpu.iota {dimensions = array<i32: 1>} : vector<8x8xi32>
    %lt3A_76 = arith.cmpi slt, %iota3A_74, %iota3A_75 : vector<8x8xi32>
    %convert_element_type3A_77 = arith.extui %lt3A_76 : vector<8x8xi1> to vector<8x8xi32>
    %convert_element_type3A_78 = arith.sitofp %convert_element_type3A_77 : vector<8x8xi32> to vector<8x8xf32>
    %convert_element_type3A_79 = arith.truncf %convert_element_type3A_78 : vector<8x8xf32> to vector<8x8xbf16>
    %le3A = arith.cmpi sle, %iota3A_74, %iota3A_75 : vector<8x8xi32>
    %convert_element_type3A_80 = arith.extui %le3A : vector<8x8xi1> to vector<8x8xi32>
    %convert_element_type3A_81 = arith.sitofp %convert_element_type3A_80 : vector<8x8xi32> to vector<8x8xf32>
    %convert_element_type3A_82 = arith.truncf %convert_element_type3A_81 : vector<8x8xf32> to vector<8x8xbf16>
    %convert_element_type3A_83 = arith.truncf %mul3A_73 : vector<1x8xf32> to vector<1x8xbf16>
    %dot_general3A_84 = arith.constant dense<0.000000e+00> : vector<1x8xf32>
    %dot_general3A_85 = tpu.matmul %convert_element_type3A_83, %convert_element_type3A_79, %dot_general3A_84 {dimension_numbers = #tpu.dot_dimension_numbers<[1], [0], [0], [1], [0, 0, 1, 1], [], []>, transpose_lhs_hint = false} : vector<1x8xbf16>, vector<8x8xbf16>, vector<1x8xf32> -> vector<1x8xf32>
    %convert_element_type3A_86 = arith.truncf %floor3A : vector<1x8xf32> to vector<1x8xbf16>
    %dot_general3A_87 = arith.constant dense<0.000000e+00> : vector<1x8xf32>
    %dot_general3A_88 = tpu.matmul %convert_element_type3A_86, %convert_element_type3A_82, %dot_general3A_87 {dimension_numbers = #tpu.dot_dimension_numbers<[1], [0], [0], [1], [0, 0, 1, 1], [], []>, transpose_lhs_hint = false} : vector<1x8xbf16>, vector<8x8xbf16>, vector<1x8xf32> -> vector<1x8xf32>
    %jit3A_89 = arith.constant 0.000000e+00 : f32
    %broadcast_in_dim3A_90 = vector.shape_cast %dot_general3A_85 : vector<1x8xf32> to vector<1x8xf32>
    %broadcast_in_dim3A_91 = vector.broadcast %broadcast_in_dim3A_90 : vector<1x8xf32> to vector<2048x8xf32>
    %broadcast_in_dim3A_92 = vector.broadcast %jit3A_89 : f32 to vector<2048x8xf32>
    %select_n3A_93 = arith.select %eq3A_42, %broadcast_in_dim3A_91, %broadcast_in_dim3A_92 : vector<2048x8xi1>, vector<2048x8xf32>
    %reduce_sum3A_94 = arith.constant dense<0.000000e+00> : vector<2048xf32>
    %reduce_sum3A_95 = vector.multi_reduction <add>, %select_n3A_93, %reduce_sum3A_94 [1] : vector<2048x8xf32> to vector<2048xf32>
    %broadcast_in_dim3A_96 = vector.shape_cast %reduce_sum3A_95 : vector<2048xf32> to vector<2048x1xf32>
    %jit3A_97 = arith.constant 0.000000e+00 : f32
    %broadcast_in_dim3A_98 = vector.shape_cast %dot_general3A_85 : vector<1x8xf32> to vector<1x8xf32>
    %broadcast_in_dim3A_99 = vector.broadcast %broadcast_in_dim3A_98 : vector<1x8xf32> to vector<2048x8xf32>
    %broadcast_in_dim3A_100 = vector.broadcast %jit3A_97 : f32 to vector<2048x8xf32>
    %select_n3A_101 = arith.select %eq3A_44, %broadcast_in_dim3A_99, %broadcast_in_dim3A_100 : vector<2048x8xi1>, vector<2048x8xf32>
    %reduce_sum3A_102 = arith.constant dense<0.000000e+00> : vector<2048xf32>
    %reduce_sum3A_103 = vector.multi_reduction <add>, %select_n3A_101, %reduce_sum3A_102 [1] : vector<2048x8xf32> to vector<2048xf32>
    %broadcast_in_dim3A_104 = vector.shape_cast %reduce_sum3A_103 : vector<2048xf32> to vector<2048x1xf32>
    %jit3A_105 = arith.constant 0.000000e+00 : f32
    %broadcast_in_dim3A_106 = vector.shape_cast %broadcast_in_dim3A_61 : vector<1x8xf32> to vector<1x8xf32>
    %broadcast_in_dim3A_107 = vector.broadcast %broadcast_in_dim3A_106 : vector<1x8xf32> to vector<2048x8xf32>
    %broadcast_in_dim3A_108 = vector.broadcast %jit3A_105 : f32 to vector<2048x8xf32>
    %select_n3A_109 = arith.select %eq3A_44, %broadcast_in_dim3A_107, %broadcast_in_dim3A_108 : vector<2048x8xi1>, vector<2048x8xf32>
    %reduce_sum3A_110 = arith.constant dense<0.000000e+00> : vector<2048xf32>
    %reduce_sum3A_111 = vector.multi_reduction <add>, %select_n3A_109, %reduce_sum3A_110 [1] : vector<2048x8xf32> to vector<2048xf32>
    %broadcast_in_dim3A_112 = vector.shape_cast %reduce_sum3A_111 : vector<2048xf32> to vector<2048x1xf32>
    %jit3A_113 = arith.constant 0.000000e+00 : f32
    %broadcast_in_dim3A_114 = vector.broadcast %jit3A_113 : f32 to vector<2048x8xf32>
    %select_n3A_115 = arith.select %eq3A_42, %dot_general3A_55, %broadcast_in_dim3A_114 : vector<2048x8xi1>, vector<2048x8xf32>
    %reduce_sum3A_116 = arith.constant dense<0.000000e+00> : vector<2048xf32>
    %reduce_sum3A_117 = vector.multi_reduction <add>, %select_n3A_115, %reduce_sum3A_116 [1] : vector<2048x8xf32> to vector<2048xf32>
    %broadcast_in_dim3A_118 = vector.shape_cast %reduce_sum3A_117 : vector<2048xf32> to vector<2048x1xf32>
    %jit3A_119 = arith.constant 0.000000e+00 : f32
    %broadcast_in_dim3A_120 = vector.broadcast %jit3A_119 : f32 to vector<2048x8xf32>
    %select_n3A_121 = arith.select %eq3A_44, %dot_general3A_58, %broadcast_in_dim3A_120 : vector<2048x8xi1>, vector<2048x8xf32>
    %reduce_sum3A_122 = arith.constant dense<0.000000e+00> : vector<2048xf32>
    %reduce_sum3A_123 = vector.multi_reduction <add>, %select_n3A_121, %reduce_sum3A_122 [1] : vector<2048x8xf32> to vector<2048xf32>
    %broadcast_in_dim3A_124 = vector.shape_cast %reduce_sum3A_123 : vector<2048xf32> to vector<2048x1xf32>
    %add3A_125 = arith.addf %broadcast_in_dim3A_96, %broadcast_in_dim3A_118 : vector<2048x1xf32>
    %convert_element_type3A_126 = arith.fptosi %add3A_125 : vector<2048x1xf32> to vector<2048x1xi32>
    %swap3A_127 = arith.constant 0 : index
    %swap3A_128 = arith.constant 0 : index
    %swap3A_129 = vector.load %arg3[%swap3A_127, %swap3A_128] : memref<2048x1xi32, #tpu.memory_space<vmem>>, vector<2048x1xi32>
    tpu.vector_store %arg3[%swap3A_127, %swap3A_128], %convert_element_type3A_126 {strides = array<i32>} : memref<2048x1xi32, #tpu.memory_space<vmem>>, vector<2048x1xi32>,
    %add3A_130 = arith.addf %broadcast_in_dim3A_104, %broadcast_in_dim3A_112 : vector<2048x1xf32>
    %add3A_131 = arith.addf %add3A_130, %broadcast_in_dim3A_124 : vector<2048x1xf32>
    %convert_element_type3A_132 = arith.fptosi %add3A_131 : vector<2048x1xf32> to vector<2048x1xi32>
    %swap3A_133 = arith.constant 0 : index
    %swap3A_134 = arith.constant 0 : index
    %swap3A_135 = vector.load %arg4[%swap3A_133, %swap3A_134] : memref<2048x1xi32, #tpu.memory_space<vmem>>, vector<2048x1xi32>
    tpu.vector_store %arg4[%swap3A_133, %swap3A_134], %convert_element_type3A_132 {strides = array<i32>} : memref<2048x1xi32, #tpu.memory_space<vmem>>, vector<2048x1xi32>,
    %iota3A_136 = tpu.iota {dimensions = array<i32: 0>} : vector<24x1xi32>
    %convert_element_type3A_137 = arith.sitofp %iota3A_136 : vector<24x1xi32> to vector<24x1xf32>
    %broadcast_in_dim3A_138 = vector.shape_cast %dot_general3A_88 : vector<1x8xf32> to vector<1x8xf32>
    %broadcast_in_dim3A_139 = vector.broadcast %broadcast_in_dim3A_138 : vector<1x8xf32> to vector<24x8xf32>
    %iota3A_140 = tpu.iota {dimensions = array<i32: 0>} : vector<24x8xi32>
    %convert_element_type3A_141 = arith.sitofp %iota3A_140 : vector<24x8xi32> to vector<24x8xf32>
    %ge3A = arith.cmpf oge, %convert_element_type3A_141, %broadcast_in_dim3A_139 : vector<24x8xf32>
    %convert_element_type3A_142 = arith.extui %ge3A : vector<24x8xi1> to vector<24x8xi32>
    %convert_element_type3A_143 = arith.sitofp %convert_element_type3A_142 : vector<24x8xi32> to vector<24x8xf32>
    %reduce_sum3A_144 = arith.constant dense<0.000000e+00> : vector<24xf32>
    %reduce_sum3A_145 = vector.multi_reduction <add>, %convert_element_type3A_143, %reduce_sum3A_144 [1] : vector<24x8xf32> to vector<24xf32>
    %broadcast_in_dim3A_146 = vector.shape_cast %reduce_sum3A_145 : vector<24xf32> to vector<24x1xf32>
    %reduce_sum3A_147 = arith.constant dense<0.000000e+00> : vector<1xf32>
    %reduce_sum3A_148 = vector.multi_reduction <add>, %floor3A, %reduce_sum3A_147 [1] : vector<1x8xf32> to vector<1xf32>
    %broadcast_in_dim3A_149 = vector.shape_cast %reduce_sum3A_148 : vector<1xf32> to vector<1x1xf32>
    %broadcast_in_dim3A_150 = vector.shape_cast %broadcast_in_dim3A_149 : vector<1x1xf32> to vector<1x1xf32>
    %broadcast_in_dim3A_151 = vector.broadcast %broadcast_in_dim3A_150 : vector<1x1xf32> to vector<24x1xf32>
    %sub3A_152 = arith.constant 1.000000e+00 : f32
    %sub3A_153 = vector.broadcast %sub3A_152 : f32 to vector<24x1xf32>
    %sub3A_154 = arith.subf %broadcast_in_dim3A_151, %sub3A_153 : vector<24x1xf32>
    %eq3A_155 = arith.cmpf oeq, %convert_element_type3A_137, %sub3A_154 : vector<24x1xf32>
    %jit3A_156 = arith.constant 0.000000e+00 : f32
    %broadcast_in_dim3A_157 = vector.broadcast %jit3A_156 : f32 to vector<24x1xf32>
    %select_n3A_158 = arith.select %eq3A_155, %broadcast_in_dim3A_146, %broadcast_in_dim3A_157 : vector<24x1xi1>, vector<24x1xf32>
    %reduce_sum3A_159 = arith.constant dense<0.000000e+00> : vector<1xf32>
    %reduce_sum3A_160 = vector.multi_reduction <add>, %select_n3A_158, %reduce_sum3A_159 [0] : vector<24x1xf32> to vector<1xf32>
    %broadcast_in_dim3A_161 = vector.shape_cast %reduce_sum3A_160 : vector<1xf32> to vector<1x1xf32>
    %lt3A_162 = arith.cmpf olt, %convert_element_type3A_137, %broadcast_in_dim3A_151 : vector<24x1xf32>
    %broadcast_in_dim3A_163 = vector.shape_cast %broadcast_in_dim3A_161 : vector<1x1xf32> to vector<1x1xf32>
    %broadcast_in_dim3A_164 = vector.broadcast %broadcast_in_dim3A_163 : vector<1x1xf32> to vector<24x1xf32>
    %select_n3A_165 = arith.select %lt3A_162, %broadcast_in_dim3A_146, %broadcast_in_dim3A_164 : vector<24x1xi1>, vector<24x1xf32>
    %convert_element_type3A_166 = arith.fptosi %select_n3A_165 : vector<24x1xf32> to vector<24x1xi32>
    %swap3A_167 = arith.constant 0 : index
    %swap3A_168 = arith.constant 0 : index
    %swap3A_169 = vector.load %arg7[%swap3A_167, %swap3A_168] : memref<24x1xi32, #tpu.memory_space<vmem>>, vector<24x1xi32>
    tpu.vector_store %arg7[%swap3A_167, %swap3A_168], %convert_element_type3A_166 {strides = array<i32>} : memref<24x1xi32, #tpu.memory_space<vmem>>, vector<24x1xi32>,
    %convert_element_type3A_170 = arith.fptosi %broadcast_in_dim3A_149 : vector<1x1xf32> to vector<1x1xi32>
    %swap3A_171 = arith.constant 0 : index
    %swap3A_172 = arith.constant 0 : index
    %swap3A_173 = vector.load %arg8[%swap3A_171, %swap3A_172] : memref<1x1xi32, #tpu.memory_space<vmem>>, vector<1x1xi32>
    tpu.vector_store %arg8[%swap3A_171, %swap3A_172], %convert_element_type3A_170 {strides = array<i32>} : memref<1x1xi32, #tpu.memory_space<vmem>>, vector<1x1xi32>,
    return
  }
  func.func @transform_0(%arg0: i32) -> (i32, i32) {
    %c0_i32 = arith.constant 0 : i32
    %c0_i32_0 = arith.constant 0 : i32
    %c0_i32_1 = arith.constant 0 : i32
    return %c0_i32, %c0_i32_0 : i32, i32
  }
  func.func @transform_1(%arg0: i32) -> (i32, i32) {
    %c0_i32 = arith.constant 0 : i32
    %c0_i32_0 = arith.constant 0 : i32
    %c0_i32_1 = arith.constant 0 : i32
    return %c0_i32, %c0_i32_0 : i32, i32
  }
  func.func @transform_2(%arg0: i32) -> (i32, i32) {
    %c0_i32 = arith.constant 0 : i32
    %c0_i32_0 = arith.constant 0 : i32
    %c0_i32_1 = arith.constant 0 : i32
    return %c0_i32, %c0_i32_0 : i32, i32
  }
  func.func @transform_3(%arg0: i32) -> (i32, i32) {
    %c0_i32 = arith.constant 0 : i32
    %c0_i32_0 = arith.constant 0 : i32
    %c0_i32_1 = arith.constant 0 : i32
    return %c0_i32, %c0_i32_0 : i32, i32
  }
  func.func @transform_4(%arg0: i32) -> (i32, i32) {
    %c0_i32 = arith.constant 0 : i32
    %c0_i32_0 = arith.constant 0 : i32
    %c0_i32_1 = arith.constant 0 : i32
    return %c0_i32, %c0_i32_0 : i32, i32
  }
  func.func @transform_5(%arg0: i32) -> (i32, i32) {
    %c0_i32 = arith.constant 0 : i32
    %c0_i32_0 = arith.constant 0 : i32
    %c0_i32_1 = arith.constant 0 : i32
    return %c0_i32, %c0_i32_0 : i32, i32
  }
  func.func @transform_6(%arg0: i32) -> (i32, i32) {
    %c0_i32 = arith.constant 0 : i32
    %c0_i32_0 = arith.constant 0 : i32
    %c0_i32_1 = arith.constant 0 : i32
    return %c0_i32, %c0_i32_0 : i32, i32
  }
  func.func @transform_7(%arg0: i32) -> (i32, i32) {
    %c0_i32 = arith.constant 0 : i32
    %c0_i32_0 = arith.constant 0 : i32
    %c0_i32_1 = arith.constant 0 : i32
    return %c0_i32, %c0_i32_0 : i32, i32
  }
}

module attributes {stable_mosaic.version = 14 : i64} {
  func.func @_gateup_kernel(%arg0: i32, %arg1: i32, %arg2: memref<24xi32, #tpu.memory_space<smem>>, %arg3: memref<1xi32, #tpu.memory_space<smem>>, %arg4: memref<256x1024xf32, #tpu.memory_space<vmem>>, %arg5: memref<1x1024x1408xf32, #tpu.memory_space<vmem>>, %arg6: memref<1x1024x1408xf32, #tpu.memory_space<vmem>>, %arg7: memref<256x1408xbf16, #tpu.memory_space<vmem>>) attributes {dimension_semantics = [#tpu.dimension_semantics<arbitrary>, #tpu.dimension_semantics<arbitrary>], iteration_bounds = array<i64: 2, 24>, scalar_prefetch = 2 : i64, scratch_operands = 0 : i64, tpu.core_type = #tpu.core_type<tc>, window_params = [{transform_indices = @transform_0, window_bounds = array<i64: 256, 1024>}, {transform_indices = @transform_1, window_bounds = array<i64: 1, 1024, 1408>}, {transform_indices = @transform_2, window_bounds = array<i64: 1, 1024, 1408>}, {transform_indices = @transform_3, window_bounds = array<i64: 256, 1408>}]} {
    %get3A = arith.constant 0 : index
    %get3A_0 = memref.load %arg3[%get3A] : memref<1xi32, #tpu.memory_space<smem>>
    %lt3A = arith.cmpi slt, %arg1, %get3A_0 : i32
    %convert_element_type3A = arith.extui %lt3A : i1 to i32
    %cond3A = arith.constant 0 : i32
    %cond3A_1 = arith.cmpi ne, %convert_element_type3A, %cond3A : i32
    scf.if %cond3A_1 {
      %get3A_2 = arith.constant 0 : index
      %get3A_3 = arith.constant 0 : index
      %get3A_4 = vector.load %arg4[%get3A_2, %get3A_3] : memref<256x1024xf32, #tpu.memory_space<vmem>>, vector<256x1024xf32>
      %get3A_5 = arith.constant 0 : index
      %get3A_6 = arith.constant 0 : index
      %get3A_7 = arith.constant 0 : index
      %get3A_8 = vector.load %arg5[%get3A_5, %get3A_6, %get3A_7] : memref<1x1024x1408xf32, #tpu.memory_space<vmem>>, vector<1x1024x1408xf32>
      %get3A_9 = vector.shape_cast %get3A_8 : vector<1x1024x1408xf32> to vector<1024x1408xf32>
      %dot_general3A = arith.constant dense<0.000000e+00> : vector<256x1408xf32>
      %dot_general3A_10 = tpu.matmul %get3A_4, %get3A_9, %dot_general3A {dimension_numbers = #tpu.dot_dimension_numbers<[1], [0], [0], [1], [0, 0, 1, 1], [], []>, transpose_lhs_hint = false} : vector<256x1024xf32>, vector<1024x1408xf32>, vector<256x1408xf32> -> vector<256x1408xf32>
      %get3A_11 = arith.constant 0 : index
      %get3A_12 = arith.constant 0 : index
      %get3A_13 = arith.constant 0 : index
      %get3A_14 = vector.load %arg6[%get3A_11, %get3A_12, %get3A_13] : memref<1x1024x1408xf32, #tpu.memory_space<vmem>>, vector<1x1024x1408xf32>
      %get3A_15 = vector.shape_cast %get3A_14 : vector<1x1024x1408xf32> to vector<1024x1408xf32>
      %dot_general3A_16 = arith.constant dense<0.000000e+00> : vector<256x1408xf32>
      %dot_general3A_17 = tpu.matmul %get3A_4, %get3A_15, %dot_general3A_16 {dimension_numbers = #tpu.dot_dimension_numbers<[1], [0], [0], [1], [0, 0, 1, 1], [], []>, transpose_lhs_hint = false} : vector<256x1024xf32>, vector<1024x1408xf32>, vector<256x1408xf32> -> vector<256x1408xf32>
      %logistic3A = arith.negf %dot_general3A_10 : vector<256x1408xf32>
      %logistic3A_18 = math.exp %logistic3A : vector<256x1408xf32>
      %logistic3A_19 = arith.constant 1.000000e+00 : f32
      %logistic3A_20 = vector.broadcast %logistic3A_19 : f32 to vector<256x1408xf32>
      %logistic3A_21 = arith.addf %logistic3A_20, %logistic3A_18 : vector<256x1408xf32>
      %logistic3A_22 = arith.divf %logistic3A_20, %logistic3A_21 : vector<256x1408xf32>
      %mul3A = arith.mulf %dot_general3A_10, %logistic3A_22 : vector<256x1408xf32>
      %mul3A_23 = arith.mulf %mul3A, %dot_general3A_17 : vector<256x1408xf32>
      %convert_element_type3A_24 = arith.truncf %mul3A_23 : vector<256x1408xf32> to vector<256x1408xbf16>
      %swap3A = arith.constant 0 : index
      %swap3A_25 = arith.constant 0 : index
      %swap3A_26 = vector.load %arg7[%swap3A, %swap3A_25] : memref<256x1408xbf16, #tpu.memory_space<vmem>>, vector<256x1408xbf16>
      tpu.vector_store %arg7[%swap3A, %swap3A_25], %convert_element_type3A_24 {strides = array<i32>} : memref<256x1408xbf16, #tpu.memory_space<vmem>>, vector<256x1408xbf16>,
    } else {
    }
    return
  }
  func.func @transform_0(%arg0: i32, %arg1: i32, %arg2: memref<24xi32, #tpu.memory_space<smem>>, %arg3: memref<1xi32, #tpu.memory_space<smem>>) -> (i32, i32) {
    %get3A = arith.constant 0 : index
    %get3A_0 = memref.load %arg3[%get3A] : memref<1xi32, #tpu.memory_space<smem>>
    %lt3A = arith.cmpi slt, %arg1, %get3A_0 : i32
    %jit3A = arith.constant 23 : i32
    %select_n3A = arith.select %lt3A, %arg1, %jit3A : i32
    %c0_i32 = arith.constant 0 : i32
    %c0_i32_1 = arith.constant 0 : i32
    return %select_n3A, %c0_i32 : i32, i32
  }
  func.func @transform_1(%arg0: i32, %arg1: i32, %arg2: memref<24xi32, #tpu.memory_space<smem>>, %arg3: memref<1xi32, #tpu.memory_space<smem>>) -> (i32, i32, i32) {
    %get3A = arith.index_cast %arg1 : i32 to index
    %get3A_0 = memref.load %arg2[%get3A] : memref<24xi32, #tpu.memory_space<smem>>
    %c0_i32 = arith.constant 0 : i32
    %c0_i32_1 = arith.constant 0 : i32
    return %get3A_0, %c0_i32, %arg0 : i32, i32, i32
  }
  func.func @transform_2(%arg0: i32, %arg1: i32, %arg2: memref<24xi32, #tpu.memory_space<smem>>, %arg3: memref<1xi32, #tpu.memory_space<smem>>) -> (i32, i32, i32) {
    %get3A = arith.index_cast %arg1 : i32 to index
    %get3A_0 = memref.load %arg2[%get3A] : memref<24xi32, #tpu.memory_space<smem>>
    %c0_i32 = arith.constant 0 : i32
    %c0_i32_1 = arith.constant 0 : i32
    return %get3A_0, %c0_i32, %arg0 : i32, i32, i32
  }
  func.func @transform_3(%arg0: i32, %arg1: i32, %arg2: memref<24xi32, #tpu.memory_space<smem>>, %arg3: memref<1xi32, #tpu.memory_space<smem>>) -> (i32, i32) {
    %get3A = arith.constant 0 : index
    %get3A_0 = memref.load %arg3[%get3A] : memref<1xi32, #tpu.memory_space<smem>>
    %lt3A = arith.cmpi slt, %arg1, %get3A_0 : i32
    %jit3A = arith.constant 23 : i32
    %select_n3A = arith.select %lt3A, %arg1, %jit3A : i32
    %c0_i32 = arith.constant 0 : i32
    return %select_n3A, %arg0 : i32, i32
  }
}

module attributes {stable_mosaic.version = 14 : i64} {
  func.func @_combine_kernel(%arg0: i32, %arg1: memref<2x2048x1024xf32, #tpu.memory_space<vmem>>, %arg2: memref<2048x1xf32, #tpu.memory_space<vmem>>, %arg3: memref<2048x1xf32, #tpu.memory_space<vmem>>, %arg4: memref<2048x1024xf32, #tpu.memory_space<vmem>>) attributes {dimension_semantics = [#tpu.dimension_semantics<arbitrary>], iteration_bounds = array<i64: 1>, scalar_prefetch = 0 : i64, scratch_operands = 0 : i64, tpu.core_type = #tpu.core_type<tc>, window_params = [{pipeline_mode = #tpu.pipeline_mode<synchronous>, transform_indices = @transform_0, window_bounds = array<i64: 2, 2048, 1024>}, {pipeline_mode = #tpu.pipeline_mode<synchronous>, transform_indices = @transform_1, window_bounds = array<i64: 2048, 1>}, {pipeline_mode = #tpu.pipeline_mode<synchronous>, transform_indices = @transform_2, window_bounds = array<i64: 2048, 1>}, {pipeline_mode = #tpu.pipeline_mode<synchronous>, transform_indices = @transform_3, window_bounds = array<i64: 2048, 1024>}]} {
    %get3A = arith.constant 0 : index
    %get3A_0 = arith.constant 0 : index
    %get3A_1 = arith.constant 0 : index
    %get3A_2 = vector.load %arg1[%get3A, %get3A_0, %get3A_1] : memref<2x2048x1024xf32, #tpu.memory_space<vmem>>, vector<1x2048x1024xf32>
    %get3A_3 = vector.shape_cast %get3A_2 : vector<1x2048x1024xf32> to vector<2048x1024xf32>
    %get3A_4 = arith.constant 0 : index
    %get3A_5 = arith.constant 0 : index
    %get3A_6 = vector.load %arg2[%get3A_4, %get3A_5] : memref<2048x1xf32, #tpu.memory_space<vmem>>, vector<2048x1xf32>
    %mul3A = vector.broadcast %get3A_6 : vector<2048x1xf32> to vector<2048x1024xf32>
    %mul3A_7 = arith.mulf %get3A_3, %mul3A : vector<2048x1024xf32>
    %get3A_8 = arith.constant 1 : index
    %get3A_9 = arith.constant 0 : index
    %get3A_10 = arith.constant 0 : index
    %get3A_11 = vector.load %arg1[%get3A_8, %get3A_9, %get3A_10] : memref<2x2048x1024xf32, #tpu.memory_space<vmem>>, vector<1x2048x1024xf32>
    %get3A_12 = vector.shape_cast %get3A_11 : vector<1x2048x1024xf32> to vector<2048x1024xf32>
    %get3A_13 = arith.constant 0 : index
    %get3A_14 = arith.constant 0 : index
    %get3A_15 = vector.load %arg3[%get3A_13, %get3A_14] : memref<2048x1xf32, #tpu.memory_space<vmem>>, vector<2048x1xf32>
    %mul3A_16 = vector.broadcast %get3A_15 : vector<2048x1xf32> to vector<2048x1024xf32>
    %mul3A_17 = arith.mulf %get3A_12, %mul3A_16 : vector<2048x1024xf32>
    %add3A = arith.addf %mul3A_7, %mul3A_17 : vector<2048x1024xf32>
    %swap3A = arith.constant 0 : index
    %swap3A_18 = arith.constant 0 : index
    %swap3A_19 = vector.load %arg4[%swap3A, %swap3A_18] : memref<2048x1024xf32, #tpu.memory_space<vmem>>, vector<2048x1024xf32>
    tpu.vector_store %arg4[%swap3A, %swap3A_18], %add3A {strides = array<i32>} : memref<2048x1024xf32, #tpu.memory_space<vmem>>, vector<2048x1024xf32>,
    return
  }
  func.func @transform_0(%arg0: i32) -> (i32, i32, i32) {
    %c0_i32 = arith.constant 0 : i32
    %c0_i32_0 = arith.constant 0 : i32
    %c0_i32_1 = arith.constant 0 : i32
    %c0_i32_2 = arith.constant 0 : i32
    return %c0_i32, %c0_i32_0, %c0_i32_1 : i32, i32, i32
  }
  func.func @transform_1(%arg0: i32) -> (i32, i32) {
    %c0_i32 = arith.constant 0 : i32
    %c0_i32_0 = arith.constant 0 : i32
    %c0_i32_1 = arith.constant 0 : i32
    return %c0_i32, %c0_i32_0 : i32, i32
  }
  func.func @transform_2(%arg0: i32) -> (i32, i32) {
    %c0_i32 = arith.constant 0 : i32
    %c0_i32_0 = arith.constant 0 : i32
    %c0_i32_1 = arith.constant 0 : i32
    return %c0_i32, %c0_i32_0 : i32, i32
  }
  func.func @transform_3(%arg0: i32) -> (i32, i32) {
    %c0_i32 = arith.constant 0 : i32
    %c0_i32_0 = arith.constant 0 : i32
    %c0_i32_1 = arith.constant 0 : i32
    return %c0_i32, %c0_i32_0 : i32, i32
  }
}

module attributes {stable_mosaic.version = 14 : i64} {
  func.func @_down_kernel(%arg0: i32, %arg1: memref<24xi32, #tpu.memory_space<smem>>, %arg2: memref<1xi32, #tpu.memory_space<smem>>, %arg3: memref<256x2816xbf16, #tpu.memory_space<vmem>>, %arg4: memref<1x2816x1024xf32, #tpu.memory_space<vmem>>, %arg5: memref<256x1024xf32, #tpu.memory_space<vmem>>) attributes {dimension_semantics = [#tpu.dimension_semantics<arbitrary>], iteration_bounds = array<i64: 24>, scalar_prefetch = 2 : i64, scratch_operands = 0 : i64, tpu.core_type = #tpu.core_type<tc>, window_params = [{transform_indices = @transform_0, window_bounds = array<i64: 256, 2816>}, {transform_indices = @transform_1, window_bounds = array<i64: 1, 2816, 1024>}, {transform_indices = @transform_2, window_bounds = array<i64: 256, 1024>}]} {
    %get3A = arith.constant 0 : index
    %get3A_0 = memref.load %arg2[%get3A] : memref<1xi32, #tpu.memory_space<smem>>
    %lt3A = arith.cmpi slt, %arg0, %get3A_0 : i32
    %convert_element_type3A = arith.extui %lt3A : i1 to i32
    %cond3A = arith.constant 0 : i32
    %cond3A_1 = arith.cmpi ne, %convert_element_type3A, %cond3A : i32
    scf.if %cond3A_1 {
      %get3A_2 = arith.constant 0 : index
      %get3A_3 = arith.constant 0 : index
      %get3A_4 = vector.load %arg3[%get3A_2, %get3A_3] : memref<256x2816xbf16, #tpu.memory_space<vmem>>, vector<256x2816xbf16>
      %convert_element_type3A_5 = arith.extf %get3A_4 : vector<256x2816xbf16> to vector<256x2816xf32>
      %get3A_6 = arith.constant 0 : index
      %get3A_7 = arith.constant 0 : index
      %get3A_8 = arith.constant 0 : index
      %get3A_9 = vector.load %arg4[%get3A_6, %get3A_7, %get3A_8] : memref<1x2816x1024xf32, #tpu.memory_space<vmem>>, vector<1x2816x1024xf32>
      %get3A_10 = vector.shape_cast %get3A_9 : vector<1x2816x1024xf32> to vector<2816x1024xf32>
      %dot_general3A = arith.constant dense<0.000000e+00> : vector<256x1024xf32>
      %dot_general3A_11 = tpu.matmul %convert_element_type3A_5, %get3A_10, %dot_general3A {dimension_numbers = #tpu.dot_dimension_numbers<[1], [0], [0], [1], [0, 0, 1, 1], [], []>, transpose_lhs_hint = false} : vector<256x2816xf32>, vector<2816x1024xf32>, vector<256x1024xf32> -> vector<256x1024xf32>
      %swap3A = arith.constant 0 : index
      %swap3A_12 = arith.constant 0 : index
      %swap3A_13 = vector.load %arg5[%swap3A, %swap3A_12] : memref<256x1024xf32, #tpu.memory_space<vmem>>, vector<256x1024xf32>
      tpu.vector_store %arg5[%swap3A, %swap3A_12], %dot_general3A_11 {strides = array<i32>} : memref<256x1024xf32, #tpu.memory_space<vmem>>, vector<256x1024xf32>,
    } else {
    }
    return
  }
  func.func @transform_0(%arg0: i32, %arg1: memref<24xi32, #tpu.memory_space<smem>>, %arg2: memref<1xi32, #tpu.memory_space<smem>>) -> (i32, i32) {
    %get3A = arith.constant 0 : index
    %get3A_0 = memref.load %arg2[%get3A] : memref<1xi32, #tpu.memory_space<smem>>
    %lt3A = arith.cmpi slt, %arg0, %get3A_0 : i32
    %jit3A = arith.constant 23 : i32
    %select_n3A = arith.select %lt3A, %arg0, %jit3A : i32
    %c0_i32 = arith.constant 0 : i32
    %c0_i32_1 = arith.constant 0 : i32
    return %select_n3A, %c0_i32 : i32, i32
  }
  func.func @transform_1(%arg0: i32, %arg1: memref<24xi32, #tpu.memory_space<smem>>, %arg2: memref<1xi32, #tpu.memory_space<smem>>) -> (i32, i32, i32) {
    %get3A = arith.index_cast %arg0 : i32 to index
    %get3A_0 = memref.load %arg1[%get3A] : memref<24xi32, #tpu.memory_space<smem>>
    %c0_i32 = arith.constant 0 : i32
    %c0_i32_1 = arith.constant 0 : i32
    %c0_i32_2 = arith.constant 0 : i32
    return %get3A_0, %c0_i32, %c0_i32_1 : i32, i32, i32
  }
  func.func @transform_2(%arg0: i32, %arg1: memref<24xi32, #tpu.memory_space<smem>>, %arg2: memref<1xi32, #tpu.memory_space<smem>>) -> (i32, i32) {
    %get3A = arith.constant 0 : index
    %get3A_0 = memref.load %arg2[%get3A] : memref<1xi32, #tpu.memory_space<smem>>
    %lt3A = arith.cmpi slt, %arg0, %get3A_0 : i32
    %jit3A = arith.constant 23 : i32
    %select_n3A = arith.select %lt3A, %arg0, %jit3A : i32
    %c0_i32 = arith.constant 0 : i32
    %c0_i32_1 = arith.constant 0 : i32
    return %select_n3A, %c0_i32 : i32, i32
  }
}

</mosaic_0001>

<sc_bundles>
// kernel: kernel.11.cloned.1.call-start
scs
__scs_entry_jumppad:
0x0: {  	(pc) =	sbr.rel $0x88, $3  }
0x1: {  	(tag) =	ssettag $0x0;
	lr =	simm.s32 $0x1  }
0x2: {  	[smem:$0x3F9C] =	sst lr;
	_ =	strace $0xD0000000  }
0x3: {  	_ = 	snop  }
0x4: {  	_ = 	snop  }
0x5: {  	_ = 	snop  }
0x6: {  	_ = 	snop  }
0x7: {  	_ = 	snop  }
__scs_overlays_trampoline_lowered:
0x8: {  	[smem:$0x3FAB] =	sst s0  }
0x9: {  	[smem:$0x3FAC] =	sst s1  }
0xa: {  	[smem:$0x3FAD] =	sst s2  }
0xb: {  	[smem:$0x3FAE] =	sst s3  }
0xc: {  	[smem:$0x3FAF] =	sst s4  }
0xd: {  	[smem:$0x3FB0] =	sst s5  }
0xe: {  	[smem:$0x3FB1] =	sst s6  }
0xf: {  	[smem:$0x3FB2] =	sst s7  }
0x10: {  	[smem:$0x3FB3] =	sst s8  }
0x11: {  	[smem:$0x3FB4] =	sst s9;
	s0 =	simm.s32 @!p0 $0x0  }
0x12: {  	s1 =	sld [smem:$0x3F9A];
	s0 =	simm.s32 @p0 $0x1  }
0x13: {  	[smem:$0x3FB5] =	sst s0;
	s0 =	simm.s32 @!p1 $0x0  }
0x14: {  	s2 =	sld [smem:$0x3F99];
	s0 =	simm.s32 @p1 $0x1  }
0x15: {  	[smem:$0x3FB6] =	sst s0;
	s0 =	simm.s32 @!p2 $0x0  }
0x16: {  	s3 =	sld [smem:$0x3FDB];
	s0 =	simm.s32 @p2 $0x1  }
0x17: {  	s4 =	simm.s32 $0x1BF5;
	[smem:$0x3FB8] =	sst s0  }
0x18: {  	s0 =	sld [smem:$0x3F9B];
	_ =	swait.ge [sflag:s4], $0x0  }
0x19: {  	s7 =	sld [smem:$0x3F9C]  }
0x1a: {  	s8 =	sadd.s32 $0xFFFFE003, lr  }
0x1b: {  	s9 =	sadd.s32 $0xFFFFFEF7, lr;
	s5 =	simm.s32 $0xFFFFFFFF;
	p2 =	slt.u32 s8, $0xFFFFF086  }
0x1c: {  	p1 =	slt.u32 s9, $0xF7A;
	s5 =	simm.s32 @!p2 $0x0  }
0x1d: {  	s5 =	simm.s32 @p1 $0x1;
	p0 =	seq.s32 s7, s2  }
0x1e: {  	s7 =	smul.u32 @!p0 $0xF7A, s2;
	p2 =	seq.s32 @!p0 s5, $0x0  }
0x1f: {  	s9 =	smul.u32 $0xF7A, s1;
	s8 =	simm.s32 @!p0 $0x1BF5;
	p2 =	por !p2, p0  }
0x20: {  	[sflag:s8] =	ssyncset.s32 @!p0 $0xFFFFF086;
	s6 =	sadd.s32 @!p0 s3, s7;
	s7 =	simm.s32 @!p0 $0x108  }
0x21: {  	s3 =	sadd.s32 s3, s9;
	s6 =	sadd.s32 @!p0 $0x88, s6;
	s7 =	simm.s32 @p2 $0x1082  }
0x22: {  	[simem:s7], [sflag:s8] =	dma.local @!p0 [hbm:s6], $0xF7A  }
0x23: {  	s9 =	sor.u32 $0xD0000000, s2;
	s6 =	simm.s32 $0x108;
	_ =	swait.ge @!p0 [sflag:s8], $0x0  }
0x24: {  	s3 =	sadd.s32 $0x88, s3;
	s6 =	simm.s32 @!p1 $0x1082;
	[sflag:s4] =	ssyncset.s32 $0xFFFFF086  }
0x25: {  	[simem:s6], [sflag:s4] =	dma.local [hbm:s3], $0xF7A  }
0x26: {  	[smem:$0x3F9C] =	sst s1;
	(tag) =	ssettag s2;
	_ =	strace s9  }
0x27: {  	s1 =	sld [smem:$0x3FAC]  }
0x28: {  	s2 =	sld [smem:$0x3FAD]  }
0x29: {  	s4 =	sld [smem:$0x3FAF]  }
0x2a: {  	p0 =	seq.s32 s5, $0x0;
	s5 =	sld [smem:$0x3FB0]  }
0x2b: {  	s6 =	sld [smem:$0x3FB1]  }
0x2c: {  	s7 =	sld [smem:$0x3FB2]  }
0x2d: {  	s3 =	simm.s32 $0x108;
	s8 =	sld [smem:$0x3FB3]  }
0x2e: {  	s3 =	simm.s32 @!p0 $0x1082;
	s9 =	sld [smem:$0x3FB4]  }
0x2f: {  	lr =	sadd.s32 s0, s3;
	s0 =	sld [smem:$0x3FAB]  }
0x30: {  	s3 =	sld [smem:$0x3FAE]  }
0x31: {  	[smem:$0x3FB7] =	sst s10  }
0x32: {  	s10 =	sld [smem:$0x3FB5];
	_ =	sdelay $0x3  }
0x33: {  	p0 =	seq.s32 s10, $0x1;
	s10 =	sld [smem:$0x3FB7];
	_ =	sdelay $0x3  }
0x34: {  	[smem:$0x3FB7] =	sst s10  }
0x35: {  	s10 =	sld [smem:$0x3FB6];
	_ =	sdelay $0x3  }
0x36: {  	p1 =	seq.s32 s10, $0x1;
	s10 =	sld [smem:$0x3FB7];
	_ =	sdelay $0x3  }
0x37: {  	[smem:$0x3FB7] =	sst s10  }
0x38: {  	s10 =	sld [smem:$0x3FB8]  }
0x39: {  	_ = 	snop;
	(pc) =	sbr.ind lr, $3  }
0x3a: {  	_ = 	snop  }
0x3b: {  	_ = 	snop  }
0x3c: {  	p2 =	seq.s32 s10, $0x1;
	s10 =	sld [smem:$0x3FB7]  }
0x3d: {  	_ =	shalt  }
0x3e: {  	_ =	shalt  }
0x3f: {  	_ =	shalt  }
0x40: {  	_ =	shalt  }
0x41: {  	_ =	shalt  }
0x42: {  	_ =	shalt  }
0x43: {  	_ =	shalt  }
0x44: {  	_ =	shalt  }
0x45: {  	_ =	shalt  }
0x46: {  	_ =	shalt  }
0x47: {  	_ =	shalt  }
0x48: {  	_ =	shalt  }
0x49: {  	_ =	shalt  }
0x4a: {  	_ =	shalt  }
0x4b: {  	_ =	shalt  }
0x4c: {  	_ =	shalt  }
0x4d: {  	_ =	shalt  }
0x4e: {  	_ =	shalt  }
0x4f: {  	_ =	shalt  }
0x50: {  	_ =	shalt  }
0x51: {  	_ =	shalt  }
0x52: {  	_ =	shalt  }
0x53: {  	_ =	shalt  }
0x54: {  	_ =	shalt  }
0x55: {  	_ =	shalt  }
0x56: {  	_ =	shalt  }
0x57: {  	_ =	shalt  }
0x58: {  	_ =	shalt  }
0x59: {  	_ =	shalt  }
0x5a: {  	_ =	shalt  }
0x5b: {  	_ =	shalt  }
0x5c: {  	_ =	shalt  }
0x5d: {  	_ =	shalt  }
0x5e: {  	_ =	shalt  }
0x5f: {  	_ =	shalt  }
0x60: {  	_ =	shalt  }
0x61: {  	_ =	shalt  }
0x62: {  	_ =	shalt  }
0x63: {  	_ =	shalt  }
0x64: {  	_ =	shalt  }
0x65: {  	_ =	shalt  }
0x66: {  	_ =	shalt  }
0x67: {  	_ =	shalt  }
0x68: {  	_ =	shalt  }
0x69: {  	_ =	shalt  }
0x6a: {  	_ =	shalt  }
0x6b: {  	_ =	shalt  }
0x6c: {  	_ =	shalt  }
0x6d: {  	_ =	shalt  }
0x6e: {  	_ =	shalt  }
0x6f: {  	_ =	shalt  }
0x70: {  	_ =	shalt  }
0x71: {  	_ =	shalt  }
0x72: {  	_ =	shalt  }
0x73: {  	_ =	shalt  }
0x74: {  	_ =	shalt  }
0x75: {  	_ =	shalt  }
0x76: {  	_ =	shalt  }
0x77: {  	_ =	shalt  }
0x78: {  	_ =	shalt  }
0x79: {  	_ =	shalt  }
0x7a: {  	_ =	shalt  }
0x7b: {  	_ =	shalt  }
0x7c: {  	_ =	shalt  }
0x7d: {  	_ =	shalt  }
0x7e: {  	_ =	shalt  }
0x7f: {  	_ =	shalt  }
0x80: {  	_ =	shalt  }
0x81: {  	_ =	shalt  }
0x82: {  	_ =	shalt  }
0x83: {  	_ =	shalt  }
0x84: {  	_ =	shalt  }
0x85: {  	_ =	shalt  }
0x86: {  	_ =	shalt  }
0x87: {  	_ =	shalt  }
.Lfunc_end0:
.L_simem_size_0:
called_computation.1_lowered:
.L_overlay_start_0:
0x88: {  	s2 =	sld [smem:$0x3FD9]  }
0x89: {  	s3 =	sld [smem:$0x3FFE];
	_ =	sdelay $0x1  }
0x8a: {  	s1 =	srdreg.scid  }
0x8b: {  	s0 =	sand.u32 $0x1, s1  }
0x8c: {  	s16 =	sshll.u32 s0, $0xA;
	s2 =	sadd.s32 s3, s2  }
0x8d: {  	s2 =	sadd.s32 s2, s16  }
0x8e: {  	[smem:$0x3FC3] =	sst s2  }
0x8f: {  	_ = 	snop  }
0x90: {  	(tm) =	ssettm $0x1  }
0x91: {  	s17 =	sld [smem:$0x3FFB];
	_ =	sdelay $0x3  }
0x92: {  	_ =	strace s17  }
0x93: {  	s2 =	sld [smem:$0x3FFC];
	_ =	sdelay $0x3  }
0x94: {  	_ =	strace s2  }
0x95: {  	s2 =	sld [smem:$0x3FFD];
	_ =	sdelay $0x3  }
0x96: {  	_ =	strace s2  }
0x97: {  	_ =	strace $0x8FFFFFFF  }
0x98: {  	s18 =	sld [smem:$0x3FDB];
	_ =	sdelay $0x1  }
0x99: {  	s19 =	simm.s32 $_scs_section_size  }
0x9a: {  	s4 =	simm.s32 $_size__tile_overlayer_lowered;
	s5 =	simm.s32 $_tile_overlayer_lowered  }
0x9b: {  	s22 =	simm.s32 $0x1BFF;
	s21 =	sshll.u32 s5, $0x1;
	s2 =	sadd.s32 s19, s18  }
0x9c: {  	s6 =	simm.s32 $0x0;
	s20 =	sshll.u32 s4, $0x1;
	s4 =	sadd.s32 s21, s2  }
0x9d: {  	[timem:s6], [sflag:s22] =	dma.local [hbm:s4], s20  }
0x9e: {  	_ =	swait.ge [sflag:s22], s20  }
0x9f: {  	s3 =	ssub.s32 $0x0, s20;
	[sflag:s22] =	ssyncset.done $0x0  }
0xa0: {  	[sflag:s22] =	ssyncadd.s32 s3;
	_ =	sdelay $0x1  }
0xa1: {  	s23 =	simm.s32 $0x1B8B  }
0xa2: {  	_ =	swait.ge [sflag:s23], $0x1  }
0xa3: {  	[sflag:s23] =	ssyncset.done $0x0  }
0xa4: {  	s25 =	simm.s32 $0x1B8E;
	s24 =	sld [smem:$0x3FFE];
	[sflag:s23] =	ssyncadd.s32 $0xFFFFFFFF  }
0xa5: {  	s26 =	simm.s32 $execute0_lowered;
	[smem:$0x3FD2] =	sst s25  }
0xa6: {  	s4 =	sshll.u32 s26, $0x1;
	_ =	strace $0x80000049;
	[dreg:$0x1] =	wrdreg $0xFFFFFFFF  }
0xa7: {  	s28 =	simm.s32 $_size_execute0_lowered;
	s2 =	sadd.s32 s2, s4;
	[dreg:$0x0] =	wrdreg $0x0  }
0xa8: {  	s4 =	sshll.u32 s28, $0x1;
	[dreg:$0x2] =	wrdreg s2  }
0xa9: {  	[dreg:$0x3] =	wrdreg s4  }
0xaa: {  	[dreg:$0x4] =	wrdreg $0xC0  }
0xab: {  	_ =	task [dreg:s6], $0x5FFFF  }
0xac: {  	[dreg:$0x1] =	wrdreg $0xFFFFFFFF  }
0xad: {  	[dreg:$0x0] =	wrdreg $0x60  }
0xae: {  	[dreg:$0x2] =	wrdreg s24  }
0xaf: {  	[dreg:$0x3] =	wrdreg $0x9  }
0xb0: {  	_ =	task.clear_ibuf [dreg:s6], $0x4FFFF;
	_ =	strace $0x90000049  }
0xb1: {  	s29 =	simm.s32 $0x9;
	_ =	strace $0x8000004B  }
0xb2: {  	_ =	swait.ge [sflag:s29], $0x1  }
0xb3: {  	[sflag:s29] =	ssyncadd.s32 $0xFFFFFFFF  }
0xb4: {  	_ =	strace $0x9000004B  }
0xb5: {  	_ =	sfence  }
0xb6: {  	s30 =	sld [smem:$0x0];
	_ =	sdelay $0x2  }
0xb7: {  	s31 =	sshll.u32 s1, $0xD;
	s1 =	sshrl.u32 s1, $0x2  }
0xb8: {  	s3 =	sand.u32 $0x4000, s31;
	s1 =	sadd.s32 s1, s30  }
0xb9: {  	s0 =	sor.u32 s3, s0;
	s1 =	sshll.u32 s1, $0x11  }
0xba: {  	s0 =	sor.u32 s1, s0  }
0xbb: {  	s0 =	sadd.s32 $0x8F2B, s0  }
0xbc: {  	[sflag:s0] =	ssyncadd.remote.s32 $0x1  }
0xbd: {  	_ =	sfence.sel $0xFFFF  }
0xbe: {  	[dreg:$0x0] =	wrdreg $0xFFFFFFFF;
	(pc) =	sbr.abs _section_cstart, $3  }
0xbf: {  	[dreg:$0x1] =	wrdreg $0xFFFFFFFF  }
0xc0: {  	_ =	task.clear_ibuf [dreg:s6], $0x2FFFF;
	_ =	strace $0x9FFFFFFF  }
0xc1: {  	(tm) =	ssettm $0x7FFFFFFF  }
tec
execute0_lowered:
.L_overlay_start_1:
0x0: {  	(tag) =	ssettag $0x1  }
0x1: {  	s0 =	rddreg [dreg:$0x0];
	s1 =	srdreg.scid  }
0x2: {  	s2 =	simm.s32 $0x0;
	s3 =	stileid.u32;
	s18 =	simm.s32 $0x1  }
0x3: {  	s20 =	simm.s32 $0x880;
	s21 =	simm.s32 $0x1080;
	s22 =	simm.s32 $0x1880  }
0x4: {  	s23 =	simm.s32 $0x2080;
	s28 =	simm.s32 $0x4080;
	s29 =	simm.s32 $0x4880  }
0x5: {  	s30 =	simm.s32 $0x5080;
	s31 =	simm.s32 $0x5880;
	s11 =	simm.s32 $0x7880  }
0x6: {  	s12 =	simm.s32 $0x8080;
	s13 =	simm.s32 $0x8880;
	s14 =	simm.s32 $0x9080  }
0x7: {  	s15 =	simm.s32 $0x9880;
	s16 =	simm.s32 $0xA080;
	s17 =	simm.s32 $0xA880  }
0x8: {  	s1 =	sand.u32 $0x1, s1;
	[smem:$0x7FF] =	sst s2;
	s3 =	sshll.u32 s3, $0x8  }
0x9: {  	s6 =	sadd.s32 $0x9400, s0;
	s8 =	sadd.s32 $0xC9600, s0;
	s4 =	sshll.u32 s1, $0x7  }
0xa: {  	_ =	strace $0x8000004A;
	s1 =	ssub.s32 $0x2, s1;
	s5 =	sor.u32 s4, s3  }
0xb: {  	s3 =	sadd.s32 $0x9600, s0;
	s7 =	sshrl.u32 s1, $0x1;
	s4 =	sshrl.u32 s5, $0x3  }
0xc: {  	s1 =	ssub.s32 s1, s7;
	s24 =	sshll.u32 s5, $0x7;
	s9 =	sor.u32 $0x40, s5  }
0xd: {  	s5 =	sadd.s32 $0x9800, s0;
	s4 =	sadd.s32 s6, s4;
	s7 =	sadd.s32 s8, s24  }
0xe: {  	s10 =	sshrl.u32 s9, $0x3;
	s9 =	sshll.u32 s9, $0x7;
	[dreg:$0x2] =	wrdreg s4  }
0xf: {  	s24 =	simm.s32 $0x2880;
	s4 =	sadd.s32 $0x9700, s0;
	[dreg:$0x3] =	wrdreg s7  }
0x10: {  	s25 =	sadd.s32 s6, s10;
	s6 =	sadd.s32 $0x9900, s0;
	s26 =	sadd.s32 s8, s9  }
0x11: {  	v2 =	vlaneseq.u32;
	s7 =	smax.u32 s1, $0x1;
	s8 =	simm.s32 $0x2;
	s0 =	simm.s32 $0x80  }
0x12: {  	vm0 =	vmmov $0xffff;
	v1 =	vshrl.u32 v2, $0x3;
	s10 =	simm.s32 $0x7080;
	s9 =	simm.s32 $0xB080;
	[dreg:$0x4] =	wrdreg s25  }
0x13: {  	v0 =	vand.u32 $0x7, v2;
	v2 =	vor.u32 $0x8, v2;
	v1 =	vmul.u32 $0x8, v1;
	[dreg:$0x5] =	wrdreg s26;
	s25 =	simm.s32 $0x3080;
	s26 =	simm.s32 $0x3880  }
.LBB2_1:
0x14: {  	s19 =	rddreg [dreg:$0x2]  }
0x15: {  	[tilespmem:s2], [sflag:$0x2] =	stream.linear.gather [hbm4b:s19+s2], $0x40, $0x38;
	[tilespmem:$0x10080] =	vst v63  }
0x16: {  	_ =	swait.ge [sflag:s8], $0x40  }
0x17: {  	[sflag:s8] =	ssyncset.done $0x0  }
0x18: {  	[sflag:s8] =	ssyncadd.s32 $0xFFFFFFC0  }
0x19: {  	v3 =	vld [tilespmem:$0x0];
	_ =	sdelay $0x4  }
0x1a: {  	v4 =	vshll.u32 v3, $0x3  }
0x1b: {  	v3 =	vand.u32 $0x7, v3;
	v4 =	vand.u32 $0xFFFFFFC0, v4  }
0x1c: {  	v3 =	vor.u32 v3, v4  }
0x1d: {  	v4 =	vperm.xlane v3, v0;
	_ =	sdelay $0x1  }
0x1e: {  	v4 =	vadd.s32 v1, v4;
	_ =	sdelay $0x4  }
0x1f: {  	[tilespmem:s0], [sflag:$0x1] =	stream.indirect_vreg.gather [hbm4b:s3+s2], $0x80, v4, vm0, $0xb8;
	[tilespmem:$0x10080] =	vst v63  }
0x20: {  	v3 =	vperm.xlane v3, v2  }
0x21: {  	[tilespmem:s20], [sflag:$0x1] =	stream.indirect_vreg.gather [hbm4b:s4+s2], $0x80, v4, vm0, $0xb8;
	[tilespmem:$0x10080] =	vst v63  }
0x22: {  	v3 =	vadd.s32 v1, v3  }
0x23: {  	[tilespmem:s21], [sflag:$0x1] =	stream.indirect_vreg.gather [hbm4b:s5+s2], $0x80, v4, vm0, $0xb8;
	[tilespmem:$0x10080] =	vst v63  }
0x24: {  	_ = 	snop  }
0x25: {  	[tilespmem:s22], [sflag:$0x1] =	stream.indirect_vreg.gather [hbm4b:s6+s2], $0x80, v4, vm0, $0xb8;
	[tilespmem:$0x10080] =	vst v63  }
0x26: {  	_ = 	snop  }
0x27: {  	[tilespmem:s23], [sflag:$0x1] =	stream.indirect_vreg.gather [hbm4b:s3+s2], $0x80, v3, vm0, $0xb8;
	[tilespmem:$0x10080] =	vst v63  }
0x28: {  	_ = 	snop  }
0x29: {  	[tilespmem:s24], [sflag:$0x1] =	stream.indirect_vreg.gather [hbm4b:s4+s2], $0x80, v3, vm0, $0xb8;
	[tilespmem:$0x10080] =	vst v63  }
0x2a: {  	_ = 	snop  }
0x2b: {  	[tilespmem:s25], [sflag:$0x1] =	stream.indirect_vreg.gather [hbm4b:s5+s2], $0x80, v3, vm0, $0xb8;
	[tilespmem:$0x10080] =	vst v63  }
0x2c: {  	_ = 	snop  }
0x2d: {  	[tilespmem:s26], [sflag:$0x1] =	stream.indirect_vreg.gather [hbm4b:s6+s2], $0x80, v3, vm0, $0xb8;
	[tilespmem:$0x10080] =	vst v63  }
0x2e: {  	v3 =	vld [tilespmem:$0x10];
	_ =	sdelay $0x4  }
0x2f: {  	v57 =	vshll.u32 v3, $0x3  }
0x30: {  	v3 =	vand.u32 $0x7, v3;
	v4 =	vand.u32 $0xFFFFFFC0, v57  }
0x31: {  	v3 =	vor.u32 v3, v4  }
0x32: {  	v4 =	vperm.xlane v3, v0;
	_ =	sdelay $0x1  }
0x33: {  	v4 =	vadd.s32 v1, v4;
	_ =	sdelay $0x4  }
0x34: {  	[tilespmem:s28], [sflag:$0x1] =	stream.indirect_vreg.gather [hbm4b:s3+s2], $0x80, v4, vm0, $0xb8;
	[tilespmem:$0x10080] =	vst v63  }
0x35: {  	v3 =	vperm.xlane v3, v2  }
0x36: {  	[tilespmem:s29], [sflag:$0x1] =	stream.indirect_vreg.gather [hbm4b:s4+s2], $0x80, v4, vm0, $0xb8;
	[tilespmem:$0x10080] =	vst v63  }
0x37: {  	v3 =	vadd.s32 v1, v3  }
0x38: {  	[tilespmem:s30], [sflag:$0x1] =	stream.indirect_vreg.gather [hbm4b:s5+s2], $0x80, v4, vm0, $0xb8;
	[tilespmem:$0x10080] =	vst v63  }
0x39: {  	_ = 	snop  }
0x3a: {  	[tilespmem:s31], [sflag:$0x1] =	stream.indirect_vreg.gather [hbm4b:s6+s2], $0x80, v4, vm0, $0xb8;
	[tilespmem:$0x10080] =	vst v63  }
0x3b: {  	s1 =	simm.s32 $0x6080  }
0x3c: {  	[tilespmem:s1], [sflag:$0x1] =	stream.indirect_vreg.gather [hbm4b:s3+s2], $0x80, v3, vm0, $0xb8;
	[tilespmem:$0x10080] =	vst v63  }
0x3d: {  	s1 =	simm.s32 $0x6880  }
0x3e: {  	[tilespmem:s1], [sflag:$0x1] =	stream.indirect_vreg.gather [hbm4b:s4+s2], $0x80, v3, vm0, $0xb8;
	[tilespmem:$0x10080] =	vst v63  }
0x3f: {  	_ = 	snop  }
0x40: {  	[tilespmem:s10], [sflag:$0x1] =	stream.indirect_vreg.gather [hbm4b:s5+s2], $0x80, v3, vm0, $0xb8;
	[tilespmem:$0x10080] =	vst v63  }
0x41: {  	_ = 	snop  }
0x42: {  	[tilespmem:s11], [sflag:$0x1] =	stream.indirect_vreg.gather [hbm4b:s6+s2], $0x80, v3, vm0, $0xb8;
	[tilespmem:$0x10080] =	vst v63  }
0x43: {  	v3 =	vld [tilespmem:$0x20];
	_ =	sdelay $0x4  }
0x44: {  	v58 =	vshll.u32 v3, $0x3  }
0x45: {  	v3 =	vand.u32 $0x7, v3;
	v4 =	vand.u32 $0xFFFFFFC0, v58  }
0x46: {  	v3 =	vor.u32 v3, v4  }
0x47: {  	v4 =	vperm.xlane v3, v0;
	_ =	sdelay $0x1  }
0x48: {  	v4 =	vadd.s32 v1, v4;
	_ =	sdelay $0x4  }
0x49: {  	[tilespmem:s12], [sflag:$0x1] =	stream.indirect_vreg.gather [hbm4b:s3+s2], $0x80, v4, vm0, $0xb8;
	[tilespmem:$0x10080] =	vst v63  }
0x4a: {  	v3 =	vperm.xlane v3, v2  }
0x4b: {  	[tilespmem:s13], [sflag:$0x1] =	stream.indirect_vreg.gather [hbm4b:s4+s2], $0x80, v4, vm0, $0xb8;
	[tilespmem:$0x10080] =	vst v63  }
0x4c: {  	v3 =	vadd.s32 v1, v3  }
0x4d: {  	[tilespmem:s14], [sflag:$0x1] =	stream.indirect_vreg.gather [hbm4b:s5+s2], $0x80, v4, vm0, $0xb8;
	[tilespmem:$0x10080] =	vst v63  }
0x4e: {  	_ = 	snop  }
0x4f: {  	[tilespmem:s15], [sflag:$0x1] =	stream.indirect_vreg.gather [hbm4b:s6+s2], $0x80, v4, vm0, $0xb8;
	[tilespmem:$0x10080] =	vst v63  }
0x50: {  	_ = 	snop  }
0x51: {  	[tilespmem:s16], [sflag:$0x1] =	stream.indirect_vreg.gather [hbm4b:s3+s2], $0x80, v3, vm0, $0xb8;
	[tilespmem:$0x10080] =	vst v63  }
0x52: {  	_ = 	snop  }
0x53: {  	[tilespmem:s17], [sflag:$0x1] =	stream.indirect_vreg.gather [hbm4b:s4+s2], $0x80, v3, vm0, $0xb8;
	[tilespmem:$0x10080] =	vst v63  }
0x54: {  	_ = 	snop  }
0x55: {  	[tilespmem:s9], [sflag:$0x1] =	stream.indirect_vreg.gather [hbm4b:s5+s2], $0x80, v3, vm0, $0xb8;
	[tilespmem:$0x10080] =	vst v63  }
0x56: {  	s19 =	simm.s32 $0xB880  }
0x57: {  	[tilespmem:s19], [sflag:$0x1] =	stream.indirect_vreg.gather [hbm4b:s6+s2], $0x80, v3, vm0, $0xb8;
	[tilespmem:$0x10080] =	vst v63  }
0x58: {  	v3 =	vld [tilespmem:$0x30];
	_ =	sdelay $0x4  }
0x59: {  	v59 =	vshll.u32 v3, $0x3  }
0x5a: {  	v3 =	vand.u32 $0x7, v3;
	v4 =	vand.u32 $0xFFFFFFC0, v59  }
0x5b: {  	v3 =	vor.u32 v3, v4  }
0x5c: {  	v4 =	vperm.xlane v3, v0;
	_ =	sdelay $0x1  }
0x5d: {  	v4 =	vadd.s32 v1, v4;
	_ =	sdelay $0x3  }
0x5e: {  	s19 =	simm.s32 $0xC080  }
0x5f: {  	[tilespmem:s19], [sflag:$0x1] =	stream.indirect_vreg.gather [hbm4b:s3+s2], $0x80, v4, vm0, $0xb8;
	[tilespmem:$0x10080] =	vst v63  }
0x60: {  	v3 =	vperm.xlane v3, v2;
	s19 =	simm.s32 $0xC880  }
0x61: {  	[tilespmem:s19], [sflag:$0x1] =	stream.indirect_vreg.gather [hbm4b:s4+s2], $0x80, v4, vm0, $0xb8;
	[tilespmem:$0x10080] =	vst v63  }
0x62: {  	v3 =	vadd.s32 v1, v3;
	s19 =	simm.s32 $0xD080  }
0x63: {  	[tilespmem:s19], [sflag:$0x1] =	stream.indirect_vreg.gather [hbm4b:s5+s2], $0x80, v4, vm0, $0xb8;
	[tilespmem:$0x10080] =	vst v63  }
0x64: {  	s19 =	simm.s32 $0xD880  }
0x65: {  	[tilespmem:s19], [sflag:$0x1] =	stream.indirect_vreg.gather [hbm4b:s6+s2], $0x80, v4, vm0, $0xb8;
	[tilespmem:$0x10080] =	vst v63  }
0x66: {  	s19 =	simm.s32 $0xE080  }
0x67: {  	[tilespmem:s19], [sflag:$0x1] =	stream.indirect_vreg.gather [hbm4b:s3+s2], $0x80, v3, vm0, $0xb8;
	[tilespmem:$0x10080] =	vst v63  }
0x68: {  	s19 =	simm.s32 $0xE880  }
0x69: {  	[tilespmem:s19], [sflag:$0x1] =	stream.indirect_vreg.gather [hbm4b:s4+s2], $0x80, v3, vm0, $0xb8;
	[tilespmem:$0x10080] =	vst v63  }
0x6a: {  	s19 =	simm.s32 $0xF080  }
0x6b: {  	[tilespmem:s19], [sflag:$0x1] =	stream.indirect_vreg.gather [hbm4b:s5+s2], $0x80, v3, vm0, $0xb8;
	[tilespmem:$0x10080] =	vst v63  }
0x6c: {  	s19 =	simm.s32 $0xF880  }
0x6d: {  	[tilespmem:s19], [sflag:$0x1] =	stream.indirect_vreg.gather [hbm4b:s6+s2], $0x80, v3, vm0, $0xb8;
	[tilespmem:$0x10080] =	vst v63  }
0x6e: {  	_ =	swait.ge [sflag:s18], $0x10000  }
0x6f: {  	[sflag:s18] =	ssyncset.done $0x0  }
0x70: {  	s19 =	rddreg [dreg:$0x3];
	[sflag:s18] =	ssyncadd.s32 $0xFFFF0000  }
0x71: {  	[hbm4b:s19+s2] =	stream.linear.scatter [tilespmem:s0], [sflag:$0x2], $0x10000, $0x38;
	[tilespmem:$0x10080] =	vst v63  }
0x72: {  	_ =	swait.ge [sflag:s8], $0x10000  }
0x73: {  	[sflag:s8] =	ssyncset.done $0x0  }
0x74: {  	s19 =	rddreg [dreg:$0x4];
	[sflag:s8] =	ssyncadd.s32 $0xFFFF0000  }
0x75: {  	[tilespmem:s2], [sflag:$0x2] =	stream.linear.gather [hbm4b:s19+s2], $0x40, $0x38;
	[tilespmem:$0x10080] =	vst v63  }
0x76: {  	_ =	swait.ge [sflag:s8], $0x40  }
0x77: {  	[sflag:s8] =	ssyncset.done $0x0  }
0x78: {  	[sflag:s8] =	ssyncadd.s32 $0xFFFFFFC0  }
0x79: {  	v3 =	vld [tilespmem:$0x0];
	_ =	sdelay $0x4  }
0x7a: {  	v60 =	vshll.u32 v3, $0x3  }
0x7b: {  	v3 =	vand.u32 $0x7, v3;
	v4 =	vand.u32 $0xFFFFFFC0, v60  }
0x7c: {  	v3 =	vor.u32 v3, v4  }
0x7d: {  	v4 =	vperm.xlane v3, v0;
	_ =	sdelay $0x1  }
0x7e: {  	v4 =	vadd.s32 v1, v4;
	_ =	sdelay $0x4  }
0x7f: {  	[tilespmem:s0], [sflag:$0x1] =	stream.indirect_vreg.gather [hbm4b:s3+s2], $0x80, v4, vm0, $0xb8;
	[tilespmem:$0x10080] =	vst v63  }
0x80: {  	v3 =	vperm.xlane v3, v2  }
0x81: {  	[tilespmem:s20], [sflag:$0x1] =	stream.indirect_vreg.gather [hbm4b:s4+s2], $0x80, v4, vm0, $0xb8;
	[tilespmem:$0x10080] =	vst v63  }
0x82: {  	v3 =	vadd.s32 v1, v3  }
0x83: {  	[tilespmem:s21], [sflag:$0x1] =	stream.indirect_vreg.gather [hbm4b:s5+s2], $0x80, v4, vm0, $0xb8;
	[tilespmem:$0x10080] =	vst v63  }
0x84: {  	_ = 	snop  }
0x85: {  	[tilespmem:s22], [sflag:$0x1] =	stream.indirect_vreg.gather [hbm4b:s6+s2], $0x80, v4, vm0, $0xb8;
	[tilespmem:$0x10080] =	vst v63  }
0x86: {  	_ = 	snop  }
0x87: {  	[tilespmem:s23], [sflag:$0x1] =	stream.indirect_vreg.gather [hbm4b:s3+s2], $0x80, v3, vm0, $0xb8;
	[tilespmem:$0x10080] =	vst v63  }
0x88: {  	_ = 	snop  }
0x89: {  	[tilespmem:s24], [sflag:$0x1] =	stream.indirect_vreg.gather [hbm4b:s4+s2], $0x80, v3, vm0, $0xb8;
	[tilespmem:$0x10080] =	vst v63  }
0x8a: {  	_ = 	snop  }
0x8b: {  	[tilespmem:s25], [sflag:$0x1] =	stream.indirect_vreg.gather [hbm4b:s5+s2], $0x80, v3, vm0, $0xb8;
	[tilespmem:$0x10080] =	vst v63  }
0x8c: {  	_ = 	snop  }
0x8d: {  	[tilespmem:s26], [sflag:$0x1] =	stream.indirect_vreg.gather [hbm4b:s6+s2], $0x80, v3, vm0, $0xb8;
	[tilespmem:$0x10080] =	vst v63  }
0x8e: {  	v3 =	vld [tilespmem:$0x10];
	_ =	sdelay $0x4  }
0x8f: {  	v61 =	vshll.u32 v3, $0x3  }
0x90: {  	v3 =	vand.u32 $0x7, v3;
	v4 =	vand.u32 $0xFFFFFFC0, v61  }
0x91: {  	v3 =	vor.u32 v3, v4  }
0x92: {  	v4 =	vperm.xlane v3, v0;
	_ =	sdelay $0x1  }
0x93: {  	v4 =	vadd.s32 v1, v4;
	_ =	sdelay $0x4  }
0x94: {  	[tilespmem:s28], [sflag:$0x1] =	stream.indirect_vreg.gather [hbm4b:s3+s2], $0x80, v4, vm0, $0xb8;
	[tilespmem:$0x10080] =	vst v63  }
0x95: {  	v3 =	vperm.xlane v3, v2  }
0x96: {  	[tilespmem:s29], [sflag:$0x1] =	stream.indirect_vreg.gather [hbm4b:s4+s2], $0x80, v4, vm0, $0xb8;
	[tilespmem:$0x10080] =	vst v63  }
0x97: {  	v3 =	vadd.s32 v1, v3  }
0x98: {  	[tilespmem:s30], [sflag:$0x1] =	stream.indirect_vreg.gather [hbm4b:s5+s2], $0x80, v4, vm0, $0xb8;
	[tilespmem:$0x10080] =	vst v63  }
0x99: {  	_ = 	snop  }
0x9a: {  	[tilespmem:s31], [sflag:$0x1] =	stream.indirect_vreg.gather [hbm4b:s6+s2], $0x80, v4, vm0, $0xb8;
	[tilespmem:$0x10080] =	vst v63  }
0x9b: {  	s19 =	simm.s32 $0x6080  }
0x9c: {  	[tilespmem:s19], [sflag:$0x1] =	stream.indirect_vreg.gather [hbm4b:s3+s2], $0x80, v3, vm0, $0xb8;
	[tilespmem:$0x10080] =	vst v63  }
0x9d: {  	_ = 	snop  }
0x9e: {  	[tilespmem:s1], [sflag:$0x1] =	stream.indirect_vreg.gather [hbm4b:s4+s2], $0x80, v3, vm0, $0xb8;
	[tilespmem:$0x10080] =	vst v63  }
0x9f: {  	_ = 	snop  }
0xa0: {  	[tilespmem:s10], [sflag:$0x1] =	stream.indirect_vreg.gather [hbm4b:s5+s2], $0x80, v3, vm0, $0xb8;
	[tilespmem:$0x10080] =	vst v63  }
0xa1: {  	_ = 	snop  }
0xa2: {  	[tilespmem:s11], [sflag:$0x1] =	stream.indirect_vreg.gather [hbm4b:s6+s2], $0x80, v3, vm0, $0xb8;
	[tilespmem:$0x10080] =	vst v63  }
0xa3: {  	v3 =	vld [tilespmem:$0x20];
	_ =	sdelay $0x4  }
0xa4: {  	v62 =	vshll.u32 v3, $0x3  }
0xa5: {  	v3 =	vand.u32 $0x7, v3;
	v4 =	vand.u32 $0xFFFFFFC0, v62  }
0xa6: {  	v3 =	vor.u32 v3, v4  }
0xa7: {  	v4 =	vperm.xlane v3, v0;
	_ =	sdelay $0x1  }
0xa8: {  	v4 =	vadd.s32 v1, v4;
	_ =	sdelay $0x4  }
0xa9: {  	[tilespmem:s12], [sflag:$0x1] =	stream.indirect_vreg.gather [hbm4b:s3+s2], $0x80, v4, vm0, $0xb8;
	[tilespmem:$0x10080] =	vst v63  }
0xaa: {  	v3 =	vperm.xlane v3, v2  }
0xab: {  	[tilespmem:s13], [sflag:$0x1] =	stream.indirect_vreg.gather [hbm4b:s4+s2], $0x80, v4, vm0, $0xb8;
	[tilespmem:$0x10080] =	vst v63  }
0xac: {  	v3 =	vadd.s32 v1, v3  }
0xad: {  	[tilespmem:s14], [sflag:$0x1] =	stream.indirect_vreg.gather [hbm4b:s5+s2], $0x80, v4, vm0, $0xb8;
	[tilespmem:$0x10080] =	vst v63  }
0xae: {  	_ = 	snop  }
0xaf: {  	[tilespmem:s15], [sflag:$0x1] =	stream.indirect_vreg.gather [hbm4b:s6+s2], $0x80, v4, vm0, $0xb8;
	[tilespmem:$0x10080] =	vst v63  }
0xb0: {  	_ = 	snop  }
0xb1: {  	[tilespmem:s16], [sflag:$0x1] =	stream.indirect_vreg.gather [hbm4b:s3+s2], $0x80, v3, vm0, $0xb8;
	[tilespmem:$0x10080] =	vst v63  }
0xb2: {  	_ = 	snop  }
0xb3: {  	[tilespmem:s17], [sflag:$0x1] =	stream.indirect_vreg.gather [hbm4b:s4+s2], $0x80, v3, vm0, $0xb8;
	[tilespmem:$0x10080] =	vst v63  }
0xb4: {  	_ = 	snop  }
0xb5: {  	[tilespmem:s9], [sflag:$0x1] =	stream.indirect_vreg.gather [hbm4b:s5+s2], $0x80, v3, vm0, $0xb8;
	[tilespmem:$0x10080] =	vst v63  }
0xb6: {  	s19 =	simm.s32 $0xB880  }
0xb7: {  	[tilespmem:s19], [sflag:$0x1] =	stream.indirect_vreg.gather [hbm4b:s6+s2], $0x80, v3, vm0, $0xb8;
	[tilespmem:$0x10080] =	vst v63  }
0xb8: {  	v3 =	vld [tilespmem:$0x30];
	_ =	sdelay $0x4  }
0xb9: {  	v63 =	vshll.u32 v3, $0x3  }
0xba: {  	v3 =	vand.u32 $0x7, v3;
	v4 =	vand.u32 $0xFFFFFFC0, v63  }
0xbb: {  	v3 =	vor.u32 v3, v4  }
0xbc: {  	v4 =	vperm.xlane v3, v0;
	_ =	sdelay $0x1  }
0xbd: {  	v4 =	vadd.s32 v1, v4;
	_ =	sdelay $0x3  }
0xbe: {  	s19 =	simm.s32 $0xC080  }
0xbf: {  	[tilespmem:s19], [sflag:$0x1] =	stream.indirect_vreg.gather [hbm4b:s3+s2], $0x80, v4, vm0, $0xb8;
	[tilespmem:$0x10080] =	vst v63  }
0xc0: {  	v3 =	vperm.xlane v3, v2;
	s19 =	simm.s32 $0xC880  }
0xc1: {  	[tilespmem:s19], [sflag:$0x1] =	stream.indirect_vreg.gather [hbm4b:s4+s2], $0x80, v4, vm0, $0xb8;
	[tilespmem:$0x10080] =	vst v63  }
0xc2: {  	v3 =	vadd.s32 v1, v3;
	s19 =	simm.s32 $0xD080  }
0xc3: {  	[tilespmem:s19], [sflag:$0x1] =	stream.indirect_vreg.gather [hbm4b:s5+s2], $0x80, v4, vm0, $0xb8;
	[tilespmem:$0x10080] =	vst v63  }
0xc4: {  	s19 =	simm.s32 $0xD880  }
0xc5: {  	[tilespmem:s19], [sflag:$0x1] =	stream.indirect_vreg.gather [hbm4b:s6+s2], $0x80, v4, vm0, $0xb8;
	[tilespmem:$0x10080] =	vst v63  }
0xc6: {  	s19 =	simm.s32 $0xE080  }
0xc7: {  	[tilespmem:s19], [sflag:$0x1] =	stream.indirect_vreg.gather [hbm4b:s3+s2], $0x80, v3, vm0, $0xb8;
	[tilespmem:$0x10080] =	vst v63  }
0xc8: {  	s19 =	simm.s32 $0xE880  }
0xc9: {  	[tilespmem:s19], [sflag:$0x1] =	stream.indirect_vreg.gather [hbm4b:s4+s2], $0x80, v3, vm0, $0xb8;
	[tilespmem:$0x10080] =	vst v63  }
0xca: {  	s19 =	simm.s32 $0xF080  }
0xcb: {  	[tilespmem:s19], [sflag:$0x1] =	stream.indirect_vreg.gather [hbm4b:s5+s2], $0x80, v3, vm0, $0xb8;
	[tilespmem:$0x10080] =	vst v63  }
0xcc: {  	s19 =	simm.s32 $0xF880  }
0xcd: {  	[tilespmem:s19], [sflag:$0x1] =	stream.indirect_vreg.gather [hbm4b:s6+s2], $0x80, v3, vm0, $0xb8;
	[tilespmem:$0x10080] =	vst v63  }
0xce: {  	_ =	swait.ge [sflag:s18], $0x10000  }
0xcf: {  	p0 =	sne.s32 s7, $0x1;
	[sflag:s18] =	ssyncset.done $0x0  }
.Ltmp0:
0xd0: {  	s1 =	rddreg [dreg:$0x5];
	[sflag:s18] =	ssyncadd.s32 $0xFFFF0000;
	(pc) =	sbr.rel @p0 .LBB2_1-.Ltmp0, $4  }
0xd1: {  	[hbm4b:s1+s2] =	stream.linear.scatter [tilespmem:s0], [sflag:$0x2], $0x10000, $0x38;
	[tilespmem:$0x10080] =	vst v63  }
0xd2: {  	_ =	swait.ge [sflag:s8], $0x10000  }
0xd3: {  	[sflag:s8] =	ssyncset.done $0x0  }
0xd4: {  	s7 =	sadd.s32 $0xFFFFFFFF, s7;
	[sflag:s8] =	ssyncadd.s32 $0xFFFF0000  }
0xd5: {  	_ =	sfence.sel $0x180000  }
0xd6: {  	[bflag:$0x0] =	sbarrier.arrive $0xFFFF  }
0xd7: {  	_ =	strace $0x9000004A  }
0xd8: {  	s0 =	stileid.u32;
	[bflag:$0x2] =	sbarrier.arrive $0xFFFF  }
0xd9: {  	p0 =	sne.s32 s0, $0x0;
	s0 =	rddreg [dreg:$0x1]  }
0xda: {  	s0 =	sadd.s32 @!p0 $0x100000, s0  }
0xdb: {  	[sflag:s0] =	ssyncadd.tile.s32 @!p0 $0x1;
	_ =	shalt  }
.Lfunc_end2:
_tile_overlayer_lowered:
.L_overlay_start_2:
0xdc: {  	(tag) =	ssettag $0x2  }
0xdd: {  	s0 =	rddreg [dreg:$0x0];
	s2 =	stileid.u32  }
0xde: {  	s1 =	rddreg [dreg:$0x1];
	p0 =	sne.s32 s2, $0x0  }
0xdf: {  	s3 =	rddreg [dreg:$0x2];
	[bflag:$0x3] =	sbarrier.arrive $0xFFFF;
	s2 =	simm.s32 @!p0 $0x1C02  }
0xe0: {  	[timem:s3], [sflag:s2] =	dma.local @!p0 [hbm:s0], s1  }
0xe1: {  	s0 =	simm.s32 @!p0 $0x2  }
0xe2: {  	_ =	swait.ge @!p0 [sflag:s0], s1  }
0xe3: {  	s1 =	ssub.s32 @!p0 $0x0, s1;
	[sflag:s0] =	ssyncset.done @!p0 $0x0  }
0xe4: {  	[sflag:s0] =	ssyncadd.s32 @!p0 s1  }
0xe5: {  	[bflag:$0x3] =	sbarrier.arrive $0xFFFF  }
0xe6: {  	_ =	shalt  }

// kernel: kernel.8.cloned.1.call-start
scs
__scs_entry_jumppad:
0x0: {  	(pc) =	sbr.rel $0x88, $3  }
0x1: {  	(tag) =	ssettag $0x0;
	lr =	simm.s32 $0x1  }
0x2: {  	[smem:$0x3F9C] =	sst lr;
	_ =	strace $0xD0000000  }
0x3: {  	_ = 	snop  }
0x4: {  	_ = 	snop  }
0x5: {  	_ = 	snop  }
0x6: {  	_ = 	snop  }
0x7: {  	_ = 	snop  }
__scs_overlays_trampoline_lowered:
0x8: {  	[smem:$0x3FAB] =	sst s0  }
0x9: {  	[smem:$0x3FAC] =	sst s1  }
0xa: {  	[smem:$0x3FAD] =	sst s2  }
0xb: {  	[smem:$0x3FAE] =	sst s3  }
0xc: {  	[smem:$0x3FAF] =	sst s4  }
0xd: {  	[smem:$0x3FB0] =	sst s5  }
0xe: {  	[smem:$0x3FB1] =	sst s6  }
0xf: {  	[smem:$0x3FB2] =	sst s7  }
0x10: {  	[smem:$0x3FB3] =	sst s8  }
0x11: {  	[smem:$0x3FB4] =	sst s9;
	s0 =	simm.s32 @!p0 $0x0  }
0x12: {  	s1 =	sld [smem:$0x3F9A];
	s0 =	simm.s32 @p0 $0x1  }
0x13: {  	[smem:$0x3FB5] =	sst s0;
	s0 =	simm.s32 @!p1 $0x0  }
0x14: {  	s2 =	sld [smem:$0x3F99];
	s0 =	simm.s32 @p1 $0x1  }
0x15: {  	[smem:$0x3FB6] =	sst s0;
	s0 =	simm.s32 @!p2 $0x0  }
0x16: {  	s3 =	sld [smem:$0x3FDB];
	s0 =	simm.s32 @p2 $0x1  }
0x17: {  	s4 =	simm.s32 $0x1BF5;
	[smem:$0x3FB8] =	sst s0  }
0x18: {  	s0 =	sld [smem:$0x3F9B];
	_ =	swait.ge [sflag:s4], $0x0  }
0x19: {  	s7 =	sld [smem:$0x3F9C]  }
0x1a: {  	s8 =	sadd.s32 $0xFFFFE003, lr  }
0x1b: {  	s9 =	sadd.s32 $0xFFFFFEF7, lr;
	s5 =	simm.s32 $0xFFFFFFFF;
	p2 =	slt.u32 s8, $0xFFFFF086  }
0x1c: {  	p1 =	slt.u32 s9, $0xF7A;
	s5 =	simm.s32 @!p2 $0x0  }
0x1d: {  	s5 =	simm.s32 @p1 $0x1;
	p0 =	seq.s32 s7, s2  }
0x1e: {  	s7 =	smul.u32 @!p0 $0xF7A, s2;
	p2 =	seq.s32 @!p0 s5, $0x0  }
0x1f: {  	s9 =	smul.u32 $0xF7A, s1;
	s8 =	simm.s32 @!p0 $0x1BF5;
	p2 =	por !p2, p0  }
0x20: {  	[sflag:s8] =	ssyncset.s32 @!p0 $0xFFFFF086;
	s6 =	sadd.s32 @!p0 s3, s7;
	s7 =	simm.s32 @!p0 $0x108  }
0x21: {  	s3 =	sadd.s32 s3, s9;
	s6 =	sadd.s32 @!p0 $0x88, s6;
	s7 =	simm.s32 @p2 $0x1082  }
0x22: {  	[simem:s7], [sflag:s8] =	dma.local @!p0 [hbm:s6], $0xF7A  }
0x23: {  	s9 =	sor.u32 $0xD0000000, s2;
	s6 =	simm.s32 $0x108;
	_ =	swait.ge @!p0 [sflag:s8], $0x0  }
0x24: {  	s3 =	sadd.s32 $0x88, s3;
	s6 =	simm.s32 @!p1 $0x1082;
	[sflag:s4] =	ssyncset.s32 $0xFFFFF086  }
0x25: {  	[simem:s6], [sflag:s4] =	dma.local [hbm:s3], $0xF7A  }
0x26: {  	[smem:$0x3F9C] =	sst s1;
	(tag) =	ssettag s2;
	_ =	strace s9  }
0x27: {  	s1 =	sld [smem:$0x3FAC]  }
0x28: {  	s2 =	sld [smem:$0x3FAD]  }
0x29: {  	s4 =	sld [smem:$0x3FAF]  }
0x2a: {  	p0 =	seq.s32 s5, $0x0;
	s5 =	sld [smem:$0x3FB0]  }
0x2b: {  	s6 =	sld [smem:$0x3FB1]  }
0x2c: {  	s7 =	sld [smem:$0x3FB2]  }
0x2d: {  	s3 =	simm.s32 $0x108;
	s8 =	sld [smem:$0x3FB3]  }
0x2e: {  	s3 =	simm.s32 @!p0 $0x1082;
	s9 =	sld [smem:$0x3FB4]  }
0x2f: {  	lr =	sadd.s32 s0, s3;
	s0 =	sld [smem:$0x3FAB]  }
0x30: {  	s3 =	sld [smem:$0x3FAE]  }
0x31: {  	[smem:$0x3FB7] =	sst s10  }
0x32: {  	s10 =	sld [smem:$0x3FB5];
	_ =	sdelay $0x3  }
0x33: {  	p0 =	seq.s32 s10, $0x1;
	s10 =	sld [smem:$0x3FB7];
	_ =	sdelay $0x3  }
0x34: {  	[smem:$0x3FB7] =	sst s10  }
0x35: {  	s10 =	sld [smem:$0x3FB6];
	_ =	sdelay $0x3  }
0x36: {  	p1 =	seq.s32 s10, $0x1;
	s10 =	sld [smem:$0x3FB7];
	_ =	sdelay $0x3  }
0x37: {  	[smem:$0x3FB7] =	sst s10  }
0x38: {  	s10 =	sld [smem:$0x3FB8]  }
0x39: {  	_ = 	snop;
	(pc) =	sbr.ind lr, $3  }
0x3a: {  	_ = 	snop  }
0x3b: {  	_ = 	snop  }
0x3c: {  	p2 =	seq.s32 s10, $0x1;
	s10 =	sld [smem:$0x3FB7]  }
0x3d: {  	_ =	shalt  }
0x3e: {  	_ =	shalt  }
0x3f: {  	_ =	shalt  }
0x40: {  	_ =	shalt  }
0x41: {  	_ =	shalt  }
0x42: {  	_ =	shalt  }
0x43: {  	_ =	shalt  }
0x44: {  	_ =	shalt  }
0x45: {  	_ =	shalt  }
0x46: {  	_ =	shalt  }
0x47: {  	_ =	shalt  }
0x48: {  	_ =	shalt  }
0x49: {  	_ =	shalt  }
0x4a: {  	_ =	shalt  }
0x4b: {  	_ =	shalt  }
0x4c: {  	_ =	shalt  }
0x4d: {  	_ =	shalt  }
0x4e: {  	_ =	shalt  }
0x4f: {  	_ =	shalt  }
0x50: {  	_ =	shalt  }
0x51: {  	_ =	shalt  }
0x52: {  	_ =	shalt  }
0x53: {  	_ =	shalt  }
0x54: {  	_ =	shalt  }
0x55: {  	_ =	shalt  }
0x56: {  	_ =	shalt  }
0x57: {  	_ =	shalt  }
0x58: {  	_ =	shalt  }
0x59: {  	_ =	shalt  }
0x5a: {  	_ =	shalt  }
0x5b: {  	_ =	shalt  }
0x5c: {  	_ =	shalt  }
0x5d: {  	_ =	shalt  }
0x5e: {  	_ =	shalt  }
0x5f: {  	_ =	shalt  }
0x60: {  	_ =	shalt  }
0x61: {  	_ =	shalt  }
0x62: {  	_ =	shalt  }
0x63: {  	_ =	shalt  }
0x64: {  	_ =	shalt  }
0x65: {  	_ =	shalt  }
0x66: {  	_ =	shalt  }
0x67: {  	_ =	shalt  }
0x68: {  	_ =	shalt  }
0x69: {  	_ =	shalt  }
0x6a: {  	_ =	shalt  }
0x6b: {  	_ =	shalt  }
0x6c: {  	_ =	shalt  }
0x6d: {  	_ =	shalt  }
0x6e: {  	_ =	shalt  }
0x6f: {  	_ =	shalt  }
0x70: {  	_ =	shalt  }
0x71: {  	_ =	shalt  }
0x72: {  	_ =	shalt  }
0x73: {  	_ =	shalt  }
0x74: {  	_ =	shalt  }
0x75: {  	_ =	shalt  }
0x76: {  	_ =	shalt  }
0x77: {  	_ =	shalt  }
0x78: {  	_ =	shalt  }
0x79: {  	_ =	shalt  }
0x7a: {  	_ =	shalt  }
0x7b: {  	_ =	shalt  }
0x7c: {  	_ =	shalt  }
0x7d: {  	_ =	shalt  }
0x7e: {  	_ =	shalt  }
0x7f: {  	_ =	shalt  }
0x80: {  	_ =	shalt  }
0x81: {  	_ =	shalt  }
0x82: {  	_ =	shalt  }
0x83: {  	_ =	shalt  }
0x84: {  	_ =	shalt  }
0x85: {  	_ =	shalt  }
0x86: {  	_ =	shalt  }
0x87: {  	_ =	shalt  }
.Lfunc_end0:
.L_simem_size_0:
called_computation_lowered:
.L_overlay_start_0:
0x88: {  	s2 =	sld [smem:$0x3FD9]  }
0x89: {  	s3 =	sld [smem:$0x3FFE];
	_ =	sdelay $0x1  }
0x8a: {  	s1 =	srdreg.scid  }
0x8b: {  	s0 =	sand.u32 $0x1, s1  }
0x8c: {  	s17 =	sshll.u32 s0, $0xA;
	s2 =	sadd.s32 s3, s2  }
0x8d: {  	s2 =	sadd.s32 s2, s17  }
0x8e: {  	[smem:$0x3FC3] =	sst s2  }
0x8f: {  	_ = 	snop  }
0x90: {  	s2 =	sld [smem:$0x3FC9];
	(tm) =	ssettm $0x1  }
0x91: {  	s18 =	sld [smem:$0x3FFB];
	_ =	sdelay $0x3  }
0x92: {  	_ =	strace s18  }
0x93: {  	s3 =	sld [smem:$0x3FFC];
	_ =	sdelay $0x3  }
0x94: {  	_ =	strace s3  }
0x95: {  	s3 =	sld [smem:$0x3FFD];
	_ =	sdelay $0x3  }
0x96: {  	_ =	strace s3  }
0x97: {  	_ =	strace $0x8FFFFFFF  }
0x98: {  	s19 =	sld [smem:$0x3FDB];
	_ =	sdelay $0x1  }
0x99: {  	s4 =	simm.s32 $_scs_section_size  }
0x9a: {  	s5 =	simm.s32 $_size__tile_overlayer_lowered;
	s6 =	simm.s32 $_tile_overlayer_lowered  }
0x9b: {  	s22 =	simm.s32 $0x1BFF;
	s21 =	sshll.u32 s6, $0x1;
	s3 =	sadd.s32 s4, s19  }
0x9c: {  	s7 =	simm.s32 $0x0;
	s20 =	sshll.u32 s5, $0x1;
	s5 =	sadd.s32 s21, s3  }
0x9d: {  	[timem:s7], [sflag:s22] =	dma.local [hbm:s5], s20  }
0x9e: {  	_ =	swait.ge [sflag:s22], s20  }
0x9f: {  	s4 =	ssub.s32 $0x0, s20;
	[sflag:s22] =	ssyncset.done $0x0  }
0xa0: {  	[sflag:s22] =	ssyncadd.s32 s4;
	_ =	sdelay $0x1  }
0xa1: {  	s23 =	simm.s32 $0x1B8B  }
0xa2: {  	_ =	swait.ge [sflag:s23], $0x1  }
0xa3: {  	[sflag:s23] =	ssyncset.done $0x0  }
0xa4: {  	s25 =	simm.s32 $0x1B8E;
	s24 =	sld [smem:$0x3FFE];
	[sflag:s23] =	ssyncadd.s32 $0xFFFFFFFF  }
0xa5: {  	s26 =	simm.s32 $execute0_lowered;
	[smem:$0x3FD2] =	sst s25  }
0xa6: {  	s5 =	sshll.u32 s26, $0x1;
	_ =	strace $0x80000046;
	[dreg:$0x1] =	wrdreg $0xFFFFFFFF  }
0xa7: {  	s28 =	simm.s32 $_size_execute0_lowered;
	s3 =	sadd.s32 s3, s5;
	[dreg:$0x0] =	wrdreg $0x0  }
0xa8: {  	s5 =	sshll.u32 s28, $0x1;
	[dreg:$0x2] =	wrdreg s3  }
0xa9: {  	[dreg:$0x3] =	wrdreg s5  }
0xaa: {  	[dreg:$0x4] =	wrdreg $0xC0  }
0xab: {  	_ =	task [dreg:s7], $0x5FFFF  }
0xac: {  	[dreg:$0x1] =	wrdreg $0xFFFFFFFF  }
0xad: {  	[dreg:$0x0] =	wrdreg $0x60  }
0xae: {  	[dreg:$0x2] =	wrdreg s2  }
0xaf: {  	[dreg:$0x3] =	wrdreg s24  }
0xb0: {  	[dreg:$0x4] =	wrdreg $0x9  }
0xb1: {  	_ =	task.clear_ibuf [dreg:s7], $0x5FFFF;
	_ =	strace $0x90000046  }
0xb2: {  	s29 =	simm.s32 $0x9;
	_ =	strace $0x80000048  }
0xb3: {  	_ =	swait.ge [sflag:s29], $0x1  }
0xb4: {  	[sflag:s29] =	ssyncadd.s32 $0xFFFFFFFF  }
0xb5: {  	_ =	strace $0x90000048  }
0xb6: {  	_ =	sfence  }
0xb7: {  	s30 =	sld [smem:$0x0];
	_ =	sdelay $0x2  }
0xb8: {  	s31 =	sshll.u32 s1, $0xD;
	s1 =	sshrl.u32 s1, $0x2  }
0xb9: {  	s3 =	sand.u32 $0x4000, s31;
	s1 =	sadd.s32 s1, s30  }
0xba: {  	s0 =	sor.u32 s3, s0;
	s1 =	sshll.u32 s1, $0x11  }
0xbb: {  	s0 =	sor.u32 s1, s0  }
0xbc: {  	s0 =	sadd.s32 $0x8F2B, s0  }
0xbd: {  	[sflag:s0] =	ssyncadd.remote.s32 $0x1  }
0xbe: {  	_ =	sfence.sel $0xFFFF  }
0xbf: {  	[dreg:$0x0] =	wrdreg $0xFFFFFFFF;
	(pc) =	sbr.abs _section_cstart, $3  }
0xc0: {  	[dreg:$0x1] =	wrdreg $0xFFFFFFFF  }
0xc1: {  	_ =	task.clear_ibuf [dreg:s7], $0x2FFFF;
	_ =	strace $0x9FFFFFFF  }
0xc2: {  	(tm) =	ssettm $0x7FFFFFFF  }
0xc3: {  	_ =	shalt  }
tec
execute0_lowered:
.L_overlay_start_1:
0x0: {  	(tag) =	ssettag $0x1  }
0x1: {  	s0 =	rddreg [dreg:$0x0]  }
0x2: {  	s1 =	rddreg [dreg:$0x1]  }
0x3: {  	s2 =	srdreg.scid;
	s6 =	stileid.u32  }
0x4: {  	s18 =	simm.s32 $0x1;
	s20 =	simm.s32 $0x880;
	s21 =	simm.s32 $0x1080  }
0x5: {  	s22 =	simm.s32 $0x1880;
	s23 =	simm.s32 $0x2080;
	s28 =	simm.s32 $0x4080  }
0x6: {  	s29 =	simm.s32 $0x4880;
	s30 =	simm.s32 $0x5080;
	s31 =	simm.s32 $0x5880  }
0x7: {  	s10 =	simm.s32 $0x7080;
	s11 =	simm.s32 $0x7880;
	s12 =	simm.s32 $0x8080  }
0x8: {  	s13 =	simm.s32 $0x8880;
	s14 =	simm.s32 $0x9080;
	s15 =	simm.s32 $0x9880  }
0x9: {  	s16 =	simm.s32 $0xA080;
	s17 =	simm.s32 $0xA880;
	s4 =	sand.u32 $0x1, s2  }
0xa: {  	s2 =	simm.s32 $0x0;
	s3 =	sshll.u32 s6, $0x8;
	p0 =	slt.u32 s6, $0x8  }
0xb: {  	s6 =	simm.s32 $0x0;
	s5 =	sshll.u32 s4, $0x7;
	[smem:$0x7FF] =	sst s2  }
0xc: {  	s6 =	simm.s32 @!p0 $0xFFFFF800;
	s4 =	ssub.s32 $0x2, s4;
	s5 =	sor.u32 s5, s3  }
0xd: {  	_ =	strace $0x80000047;
	s24 =	sshrl.u32 s4, $0x1;
	s3 =	sshrl.u32 s5, $0x3  }
0xe: {  	s5 =	sadd.s32 s5, s6;
	s9 =	ssub.s32 s4, s24;
	s4 =	sadd.s32 $0x9700, s1  }
0xf: {  	s6 =	sadd.s32 $0x9900, s1;
	s24 =	simm.s32 $0x2880;
	s7 =	sadd.s32 s3, s1  }
0x10: {  	s3 =	sadd.s32 $0x9600, s1;
	s5 =	sshll.u32 s5, $0x7;
	s8 =	sadd.s32 $0x9400, s7  }
0x11: {  	s25 =	sadd.s32 s0, s5;
	s26 =	sand.u32 $0x1FFFC000, s5;
	[dreg:$0x3] =	wrdreg s8  }
0x12: {  	s5 =	sadd.s32 $0x9800, s1;
	s7 =	sadd.s32 $0x9408, s7;
	[dreg:$0x4] =	wrdreg s25  }
0x13: {  	v2 =	vlaneseq.u32;
	s0 =	sadd.s32 s26, s0;
	[dreg:$0x5] =	wrdreg s7;
	s7 =	smax.u32 s9, $0x1  }
0x14: {  	vm0 =	vmmov $0xffff;
	v1 =	vshrl.u32 v2, $0x3;
	s8 =	simm.s32 $0x2;
	s25 =	simm.s32 $0x3080;
	s0 =	sadd.s32 $0x2000, s0  }
0x15: {  	v0 =	vand.u32 $0x7, v2;
	v2 =	vor.u32 $0x8, v2;
	v1 =	vmul.u32 $0x8, v1;
	s26 =	simm.s32 $0x3880;
	s9 =	simm.s32 $0xB080;
	[dreg:$0x6] =	wrdreg s0  }
.LBB2_1:
0x16: {  	s19 =	rddreg [dreg:$0x3]  }
0x17: {  	[tilespmem:s2], [sflag:$0x2] =	stream.linear.gather [hbm4b:s19+s2], $0x40, $0x38;
	[tilespmem:$0x10080] =	vst v63  }
0x18: {  	_ =	swait.ge [sflag:s8], $0x40  }
0x19: {  	[sflag:s8] =	ssyncset.done $0x0  }
0x1a: {  	s0 =	simm.s32 $0x80;
	s1 =	rddreg [dreg:$0x4];
	[sflag:s8] =	ssyncadd.s32 $0xFFFFFFC0  }
0x1b: {  	[tilespmem:s0], [sflag:$0x2] =	stream.linear.gather [hbm4b:s1+s2], $0x10000, $0x38;
	[tilespmem:$0x10080] =	vst v63  }
0x1c: {  	_ =	swait.ge [sflag:s8], $0x10000  }
0x1d: {  	[sflag:s8] =	ssyncset.done $0x0  }
0x1e: {  	[sflag:s8] =	ssyncadd.s32 $0xFFFF0000  }
0x1f: {  	v3 =	vld [tilespmem:$0x0];
	_ =	sdelay $0x4  }
0x20: {  	v4 =	vshll.u32 v3, $0x3  }
0x21: {  	v3 =	vand.u32 $0x7, v3;
	v4 =	vand.u32 $0xFFFFFFC0, v4  }
0x22: {  	v3 =	vor.u32 v3, v4  }
0x23: {  	v4 =	vperm.xlane v3, v0;
	_ =	sdelay $0x1  }
0x24: {  	v4 =	vadd.s32 v1, v4;
	_ =	sdelay $0x4  }
0x25: {  	[hbm4b:s3+s2] =	stream.indirect_vreg.scatter [tilespmem:s0], [sflag:$0x1], $0x80, v4, vm0, $0xb8;
	[tilespmem:$0x10080] =	vst v63  }
0x26: {  	v3 =	vperm.xlane v3, v2  }
0x27: {  	[hbm4b:s4+s2] =	stream.indirect_vreg.scatter [tilespmem:s20], [sflag:$0x1], $0x80, v4, vm0, $0xb8;
	[tilespmem:$0x10080] =	vst v63  }
0x28: {  	v3 =	vadd.s32 v1, v3  }
0x29: {  	[hbm4b:s5+s2] =	stream.indirect_vreg.scatter [tilespmem:s21], [sflag:$0x1], $0x80, v4, vm0, $0xb8;
	[tilespmem:$0x10080] =	vst v63  }
0x2a: {  	_ = 	snop  }
0x2b: {  	[hbm4b:s6+s2] =	stream.indirect_vreg.scatter [tilespmem:s22], [sflag:$0x1], $0x80, v4, vm0, $0xb8;
	[tilespmem:$0x10080] =	vst v63  }
0x2c: {  	_ = 	snop  }
0x2d: {  	[hbm4b:s3+s2] =	stream.indirect_vreg.scatter [tilespmem:s23], [sflag:$0x1], $0x80, v3, vm0, $0xb8;
	[tilespmem:$0x10080] =	vst v63  }
0x2e: {  	_ = 	snop  }
0x2f: {  	[hbm4b:s4+s2] =	stream.indirect_vreg.scatter [tilespmem:s24], [sflag:$0x1], $0x80, v3, vm0, $0xb8;
	[tilespmem:$0x10080] =	vst v63  }
0x30: {  	_ = 	snop  }
0x31: {  	[hbm4b:s5+s2] =	stream.indirect_vreg.scatter [tilespmem:s25], [sflag:$0x1], $0x80, v3, vm0, $0xb8;
	[tilespmem:$0x10080] =	vst v63  }
0x32: {  	_ = 	snop  }
0x33: {  	[hbm4b:s6+s2] =	stream.indirect_vreg.scatter [tilespmem:s26], [sflag:$0x1], $0x80, v3, vm0, $0xb8;
	[tilespmem:$0x10080] =	vst v63  }
0x34: {  	v3 =	vld [tilespmem:$0x10];
	_ =	sdelay $0x4  }
0x35: {  	v57 =	vshll.u32 v3, $0x3  }
0x36: {  	v3 =	vand.u32 $0x7, v3;
	v4 =	vand.u32 $0xFFFFFFC0, v57  }
0x37: {  	v3 =	vor.u32 v3, v4  }
0x38: {  	v4 =	vperm.xlane v3, v0;
	_ =	sdelay $0x1  }
0x39: {  	v4 =	vadd.s32 v1, v4;
	_ =	sdelay $0x4  }
0x3a: {  	[hbm4b:s3+s2] =	stream.indirect_vreg.scatter [tilespmem:s28], [sflag:$0x1], $0x80, v4, vm0, $0xb8;
	[tilespmem:$0x10080] =	vst v63  }
0x3b: {  	v3 =	vperm.xlane v3, v2  }
0x3c: {  	[hbm4b:s4+s2] =	stream.indirect_vreg.scatter [tilespmem:s29], [sflag:$0x1], $0x80, v4, vm0, $0xb8;
	[tilespmem:$0x10080] =	vst v63  }
0x3d: {  	v3 =	vadd.s32 v1, v3  }
0x3e: {  	[hbm4b:s5+s2] =	stream.indirect_vreg.scatter [tilespmem:s30], [sflag:$0x1], $0x80, v4, vm0, $0xb8;
	[tilespmem:$0x10080] =	vst v63  }
0x3f: {  	_ = 	snop  }
0x40: {  	[hbm4b:s6+s2] =	stream.indirect_vreg.scatter [tilespmem:s31], [sflag:$0x1], $0x80, v4, vm0, $0xb8;
	[tilespmem:$0x10080] =	vst v63  }
0x41: {  	s1 =	simm.s32 $0x6080  }
0x42: {  	[hbm4b:s3+s2] =	stream.indirect_vreg.scatter [tilespmem:s1], [sflag:$0x1], $0x80, v3, vm0, $0xb8;
	[tilespmem:$0x10080] =	vst v63  }
0x43: {  	s1 =	simm.s32 $0x6880  }
0x44: {  	[hbm4b:s4+s2] =	stream.indirect_vreg.scatter [tilespmem:s1], [sflag:$0x1], $0x80, v3, vm0, $0xb8;
	[tilespmem:$0x10080] =	vst v63  }
0x45: {  	_ = 	snop  }
0x46: {  	[hbm4b:s5+s2] =	stream.indirect_vreg.scatter [tilespmem:s10], [sflag:$0x1], $0x80, v3, vm0, $0xb8;
	[tilespmem:$0x10080] =	vst v63  }
0x47: {  	_ = 	snop  }
0x48: {  	[hbm4b:s6+s2] =	stream.indirect_vreg.scatter [tilespmem:s11], [sflag:$0x1], $0x80, v3, vm0, $0xb8;
	[tilespmem:$0x10080] =	vst v63  }
0x49: {  	v3 =	vld [tilespmem:$0x20];
	_ =	sdelay $0x4  }
0x4a: {  	v58 =	vshll.u32 v3, $0x3  }
0x4b: {  	v3 =	vand.u32 $0x7, v3;
	v4 =	vand.u32 $0xFFFFFFC0, v58  }
0x4c: {  	v3 =	vor.u32 v3, v4  }
0x4d: {  	v4 =	vperm.xlane v3, v0;
	_ =	sdelay $0x1  }
0x4e: {  	v4 =	vadd.s32 v1, v4;
	_ =	sdelay $0x4  }
0x4f: {  	[hbm4b:s3+s2] =	stream.indirect_vreg.scatter [tilespmem:s12], [sflag:$0x1], $0x80, v4, vm0, $0xb8;
	[tilespmem:$0x10080] =	vst v63  }
0x50: {  	v3 =	vperm.xlane v3, v2  }
0x51: {  	[hbm4b:s4+s2] =	stream.indirect_vreg.scatter [tilespmem:s13], [sflag:$0x1], $0x80, v4, vm0, $0xb8;
	[tilespmem:$0x10080] =	vst v63  }
0x52: {  	v3 =	vadd.s32 v1, v3  }
0x53: {  	[hbm4b:s5+s2] =	stream.indirect_vreg.scatter [tilespmem:s14], [sflag:$0x1], $0x80, v4, vm0, $0xb8;
	[tilespmem:$0x10080] =	vst v63  }
0x54: {  	_ = 	snop  }
0x55: {  	[hbm4b:s6+s2] =	stream.indirect_vreg.scatter [tilespmem:s15], [sflag:$0x1], $0x80, v4, vm0, $0xb8;
	[tilespmem:$0x10080] =	vst v63  }
0x56: {  	_ = 	snop  }
0x57: {  	[hbm4b:s3+s2] =	stream.indirect_vreg.scatter [tilespmem:s16], [sflag:$0x1], $0x80, v3, vm0, $0xb8;
	[tilespmem:$0x10080] =	vst v63  }
0x58: {  	_ = 	snop  }
0x59: {  	[hbm4b:s4+s2] =	stream.indirect_vreg.scatter [tilespmem:s17], [sflag:$0x1], $0x80, v3, vm0, $0xb8;
	[tilespmem:$0x10080] =	vst v63  }
0x5a: {  	_ = 	snop  }
0x5b: {  	[hbm4b:s5+s2] =	stream.indirect_vreg.scatter [tilespmem:s9], [sflag:$0x1], $0x80, v3, vm0, $0xb8;
	[tilespmem:$0x10080] =	vst v63  }
0x5c: {  	s19 =	simm.s32 $0xB880  }
0x5d: {  	[hbm4b:s6+s2] =	stream.indirect_vreg.scatter [tilespmem:s19], [sflag:$0x1], $0x80, v3, vm0, $0xb8;
	[tilespmem:$0x10080] =	vst v63  }
0x5e: {  	v3 =	vld [tilespmem:$0x30];
	_ =	sdelay $0x4  }
0x5f: {  	v59 =	vshll.u32 v3, $0x3  }
0x60: {  	v3 =	vand.u32 $0x7, v3;
	v4 =	vand.u32 $0xFFFFFFC0, v59  }
0x61: {  	v3 =	vor.u32 v3, v4  }
0x62: {  	v4 =	vperm.xlane v3, v0;
	_ =	sdelay $0x1  }
0x63: {  	v4 =	vadd.s32 v1, v4;
	_ =	sdelay $0x3  }
0x64: {  	s19 =	simm.s32 $0xC080  }
0x65: {  	[hbm4b:s3+s2] =	stream.indirect_vreg.scatter [tilespmem:s19], [sflag:$0x1], $0x80, v4, vm0, $0xb8;
	[tilespmem:$0x10080] =	vst v63  }
0x66: {  	v3 =	vperm.xlane v3, v2;
	s19 =	simm.s32 $0xC880  }
0x67: {  	[hbm4b:s4+s2] =	stream.indirect_vreg.scatter [tilespmem:s19], [sflag:$0x1], $0x80, v4, vm0, $0xb8;
	[tilespmem:$0x10080] =	vst v63  }
0x68: {  	v3 =	vadd.s32 v1, v3;
	s19 =	simm.s32 $0xD080  }
0x69: {  	[hbm4b:s5+s2] =	stream.indirect_vreg.scatter [tilespmem:s19], [sflag:$0x1], $0x80, v4, vm0, $0xb8;
	[tilespmem:$0x10080] =	vst v63  }
0x6a: {  	s19 =	simm.s32 $0xD880  }
0x6b: {  	[hbm4b:s6+s2] =	stream.indirect_vreg.scatter [tilespmem:s19], [sflag:$0x1], $0x80, v4, vm0, $0xb8;
	[tilespmem:$0x10080] =	vst v63  }
0x6c: {  	s19 =	simm.s32 $0xE080  }
0x6d: {  	[hbm4b:s3+s2] =	stream.indirect_vreg.scatter [tilespmem:s19], [sflag:$0x1], $0x80, v3, vm0, $0xb8;
	[tilespmem:$0x10080] =	vst v63  }
0x6e: {  	s19 =	simm.s32 $0xE880  }
0x6f: {  	[hbm4b:s4+s2] =	stream.indirect_vreg.scatter [tilespmem:s19], [sflag:$0x1], $0x80, v3, vm0, $0xb8;
	[tilespmem:$0x10080] =	vst v63  }
0x70: {  	s19 =	simm.s32 $0xF080  }
0x71: {  	[hbm4b:s5+s2] =	stream.indirect_vreg.scatter [tilespmem:s19], [sflag:$0x1], $0x80, v3, vm0, $0xb8;
	[tilespmem:$0x10080] =	vst v63  }
0x72: {  	s19 =	simm.s32 $0xF880  }
0x73: {  	[hbm4b:s6+s2] =	stream.indirect_vreg.scatter [tilespmem:s19], [sflag:$0x1], $0x80, v3, vm0, $0xb8;
	[tilespmem:$0x10080] =	vst v63  }
0x74: {  	_ =	swait.ge [sflag:s18], $0x10000  }
0x75: {  	[sflag:s18] =	ssyncset.done $0x0  }
0x76: {  	s19 =	rddreg [dreg:$0x5];
	[sflag:s18] =	ssyncadd.s32 $0xFFFF0000  }
0x77: {  	[tilespmem:s2], [sflag:$0x2] =	stream.linear.gather [hbm4b:s19+s2], $0x40, $0x38;
	[tilespmem:$0x10080] =	vst v63  }
0x78: {  	_ =	swait.ge [sflag:s8], $0x40  }
0x79: {  	[sflag:s8] =	ssyncset.done $0x0  }
0x7a: {  	s19 =	rddreg [dreg:$0x6];
	[sflag:s8] =	ssyncadd.s32 $0xFFFFFFC0  }
0x7b: {  	[tilespmem:s0], [sflag:$0x2] =	stream.linear.gather [hbm4b:s19+s2], $0x10000, $0x38;
	[tilespmem:$0x10080] =	vst v63  }
0x7c: {  	_ =	swait.ge [sflag:s8], $0x10000  }
0x7d: {  	[sflag:s8] =	ssyncset.done $0x0  }
0x7e: {  	[sflag:s8] =	ssyncadd.s32 $0xFFFF0000  }
0x7f: {  	v3 =	vld [tilespmem:$0x0];
	_ =	sdelay $0x4  }
0x80: {  	v60 =	vshll.u32 v3, $0x3  }
0x81: {  	v3 =	vand.u32 $0x7, v3;
	v4 =	vand.u32 $0xFFFFFFC0, v60  }
0x82: {  	v3 =	vor.u32 v3, v4  }
0x83: {  	v4 =	vperm.xlane v3, v0;
	_ =	sdelay $0x1  }
0x84: {  	v4 =	vadd.s32 v1, v4;
	_ =	sdelay $0x4  }
0x85: {  	[hbm4b:s3+s2] =	stream.indirect_vreg.scatter [tilespmem:s0], [sflag:$0x1], $0x80, v4, vm0, $0xb8;
	[tilespmem:$0x10080] =	vst v63  }
0x86: {  	v3 =	vperm.xlane v3, v2  }
0x87: {  	[hbm4b:s4+s2] =	stream.indirect_vreg.scatter [tilespmem:s20], [sflag:$0x1], $0x80, v4, vm0, $0xb8;
	[tilespmem:$0x10080] =	vst v63  }
0x88: {  	v3 =	vadd.s32 v1, v3  }
0x89: {  	[hbm4b:s5+s2] =	stream.indirect_vreg.scatter [tilespmem:s21], [sflag:$0x1], $0x80, v4, vm0, $0xb8;
	[tilespmem:$0x10080] =	vst v63  }
0x8a: {  	_ = 	snop  }
0x8b: {  	[hbm4b:s6+s2] =	stream.indirect_vreg.scatter [tilespmem:s22], [sflag:$0x1], $0x80, v4, vm0, $0xb8;
	[tilespmem:$0x10080] =	vst v63  }
0x8c: {  	_ = 	snop  }
0x8d: {  	[hbm4b:s3+s2] =	stream.indirect_vreg.scatter [tilespmem:s23], [sflag:$0x1], $0x80, v3, vm0, $0xb8;
	[tilespmem:$0x10080] =	vst v63  }
0x8e: {  	_ = 	snop  }
0x8f: {  	[hbm4b:s4+s2] =	stream.indirect_vreg.scatter [tilespmem:s24], [sflag:$0x1], $0x80, v3, vm0, $0xb8;
	[tilespmem:$0x10080] =	vst v63  }
0x90: {  	_ = 	snop  }
0x91: {  	[hbm4b:s5+s2] =	stream.indirect_vreg.scatter [tilespmem:s25], [sflag:$0x1], $0x80, v3, vm0, $0xb8;
	[tilespmem:$0x10080] =	vst v63  }
0x92: {  	_ = 	snop  }
0x93: {  	[hbm4b:s6+s2] =	stream.indirect_vreg.scatter [tilespmem:s26], [sflag:$0x1], $0x80, v3, vm0, $0xb8;
	[tilespmem:$0x10080] =	vst v63  }
0x94: {  	v3 =	vld [tilespmem:$0x10];
	_ =	sdelay $0x4  }
0x95: {  	v61 =	vshll.u32 v3, $0x3  }
0x96: {  	v3 =	vand.u32 $0x7, v3;
	v4 =	vand.u32 $0xFFFFFFC0, v61  }
0x97: {  	v3 =	vor.u32 v3, v4  }
0x98: {  	v4 =	vperm.xlane v3, v0;
	_ =	sdelay $0x1  }
0x99: {  	v4 =	vadd.s32 v1, v4;
	_ =	sdelay $0x4  }
0x9a: {  	[hbm4b:s3+s2] =	stream.indirect_vreg.scatter [tilespmem:s28], [sflag:$0x1], $0x80, v4, vm0, $0xb8;
	[tilespmem:$0x10080] =	vst v63  }
0x9b: {  	v3 =	vperm.xlane v3, v2  }
0x9c: {  	[hbm4b:s4+s2] =	stream.indirect_vreg.scatter [tilespmem:s29], [sflag:$0x1], $0x80, v4, vm0, $0xb8;
	[tilespmem:$0x10080] =	vst v63  }
0x9d: {  	v3 =	vadd.s32 v1, v3  }
0x9e: {  	[hbm4b:s5+s2] =	stream.indirect_vreg.scatter [tilespmem:s30], [sflag:$0x1], $0x80, v4, vm0, $0xb8;
	[tilespmem:$0x10080] =	vst v63  }
0x9f: {  	_ = 	snop  }
0xa0: {  	[hbm4b:s6+s2] =	stream.indirect_vreg.scatter [tilespmem:s31], [sflag:$0x1], $0x80, v4, vm0, $0xb8;
	[tilespmem:$0x10080] =	vst v63  }
0xa1: {  	s19 =	simm.s32 $0x6080  }
0xa2: {  	[hbm4b:s3+s2] =	stream.indirect_vreg.scatter [tilespmem:s19], [sflag:$0x1], $0x80, v3, vm0, $0xb8;
	[tilespmem:$0x10080] =	vst v63  }
0xa3: {  	_ = 	snop  }
0xa4: {  	[hbm4b:s4+s2] =	stream.indirect_vreg.scatter [tilespmem:s1], [sflag:$0x1], $0x80, v3, vm0, $0xb8;
	[tilespmem:$0x10080] =	vst v63  }
0xa5: {  	_ = 	snop  }
0xa6: {  	[hbm4b:s5+s2] =	stream.indirect_vreg.scatter [tilespmem:s10], [sflag:$0x1], $0x80, v3, vm0, $0xb8;
	[tilespmem:$0x10080] =	vst v63  }
0xa7: {  	_ = 	snop  }
0xa8: {  	[hbm4b:s6+s2] =	stream.indirect_vreg.scatter [tilespmem:s11], [sflag:$0x1], $0x80, v3, vm0, $0xb8;
	[tilespmem:$0x10080] =	vst v63  }
0xa9: {  	v3 =	vld [tilespmem:$0x20];
	_ =	sdelay $0x4  }
0xaa: {  	v62 =	vshll.u32 v3, $0x3  }
0xab: {  	v3 =	vand.u32 $0x7, v3;
	v4 =	vand.u32 $0xFFFFFFC0, v62  }
0xac: {  	v3 =	vor.u32 v3, v4  }
0xad: {  	v4 =	vperm.xlane v3, v0;
	_ =	sdelay $0x1  }
0xae: {  	v4 =	vadd.s32 v1, v4;
	_ =	sdelay $0x4  }
0xaf: {  	[hbm4b:s3+s2] =	stream.indirect_vreg.scatter [tilespmem:s12], [sflag:$0x1], $0x80, v4, vm0, $0xb8;
	[tilespmem:$0x10080] =	vst v63  }
0xb0: {  	v3 =	vperm.xlane v3, v2  }
0xb1: {  	[hbm4b:s4+s2] =	stream.indirect_vreg.scatter [tilespmem:s13], [sflag:$0x1], $0x80, v4, vm0, $0xb8;
	[tilespmem:$0x10080] =	vst v63  }
0xb2: {  	v3 =	vadd.s32 v1, v3  }
0xb3: {  	[hbm4b:s5+s2] =	stream.indirect_vreg.scatter [tilespmem:s14], [sflag:$0x1], $0x80, v4, vm0, $0xb8;
	[tilespmem:$0x10080] =	vst v63  }
0xb4: {  	_ = 	snop  }
0xb5: {  	[hbm4b:s6+s2] =	stream.indirect_vreg.scatter [tilespmem:s15], [sflag:$0x1], $0x80, v4, vm0, $0xb8;
	[tilespmem:$0x10080] =	vst v63  }
0xb6: {  	_ = 	snop  }
0xb7: {  	[hbm4b:s3+s2] =	stream.indirect_vreg.scatter [tilespmem:s16], [sflag:$0x1], $0x80, v3, vm0, $0xb8;
	[tilespmem:$0x10080] =	vst v63  }
0xb8: {  	_ = 	snop  }
0xb9: {  	[hbm4b:s4+s2] =	stream.indirect_vreg.scatter [tilespmem:s17], [sflag:$0x1], $0x80, v3, vm0, $0xb8;
	[tilespmem:$0x10080] =	vst v63  }
0xba: {  	_ = 	snop  }
0xbb: {  	[hbm4b:s5+s2] =	stream.indirect_vreg.scatter [tilespmem:s9], [sflag:$0x1], $0x80, v3, vm0, $0xb8;
	[tilespmem:$0x10080] =	vst v63  }
0xbc: {  	s19 =	simm.s32 $0xB880  }
0xbd: {  	[hbm4b:s6+s2] =	stream.indirect_vreg.scatter [tilespmem:s19], [sflag:$0x1], $0x80, v3, vm0, $0xb8;
	[tilespmem:$0x10080] =	vst v63  }
0xbe: {  	v3 =	vld [tilespmem:$0x30];
	_ =	sdelay $0x4  }
0xbf: {  	v63 =	vshll.u32 v3, $0x3  }
0xc0: {  	v3 =	vand.u32 $0x7, v3;
	v4 =	vand.u32 $0xFFFFFFC0, v63  }
0xc1: {  	v3 =	vor.u32 v3, v4  }
0xc2: {  	v4 =	vperm.xlane v3, v0;
	_ =	sdelay $0x1  }
0xc3: {  	v4 =	vadd.s32 v1, v4;
	_ =	sdelay $0x3  }
0xc4: {  	s1 =	simm.s32 $0xC080  }
0xc5: {  	[hbm4b:s3+s2] =	stream.indirect_vreg.scatter [tilespmem:s1], [sflag:$0x1], $0x80, v4, vm0, $0xb8;
	[tilespmem:$0x10080] =	vst v63  }
0xc6: {  	s19 =	simm.s32 $0xC880;
	v3 =	vperm.xlane v3, v2  }
0xc7: {  	[hbm4b:s4+s2] =	stream.indirect_vreg.scatter [tilespmem:s19], [sflag:$0x1], $0x80, v4, vm0, $0xb8;
	[tilespmem:$0x10080] =	vst v63  }
0xc8: {  	v3 =	vadd.s32 v1, v3;
	s1 =	simm.s32 $0xD080  }
0xc9: {  	[hbm4b:s5+s2] =	stream.indirect_vreg.scatter [tilespmem:s1], [sflag:$0x1], $0x80, v4, vm0, $0xb8;
	[tilespmem:$0x10080] =	vst v63  }
0xca: {  	s19 =	simm.s32 $0xD880  }
0xcb: {  	[hbm4b:s6+s2] =	stream.indirect_vreg.scatter [tilespmem:s19], [sflag:$0x1], $0x80, v4, vm0, $0xb8;
	[tilespmem:$0x10080] =	vst v63  }
0xcc: {  	s1 =	simm.s32 $0xE080  }
0xcd: {  	[hbm4b:s3+s2] =	stream.indirect_vreg.scatter [tilespmem:s1], [sflag:$0x1], $0x80, v3, vm0, $0xb8;
	[tilespmem:$0x10080] =	vst v63  }
0xce: {  	s19 =	simm.s32 $0xE880  }
0xcf: {  	[hbm4b:s4+s2] =	stream.indirect_vreg.scatter [tilespmem:s19], [sflag:$0x1], $0x80, v3, vm0, $0xb8;
	[tilespmem:$0x10080] =	vst v63  }
0xd0: {  	p0 =	sne.s32 s7, $0x1;
	s1 =	simm.s32 $0xF080  }
0xd1: {  	[hbm4b:s5+s2] =	stream.indirect_vreg.scatter [tilespmem:s1], [sflag:$0x1], $0x80, v3, vm0, $0xb8;
	[tilespmem:$0x10080] =	vst v63  }
.Ltmp0:
0xd2: {  	s19 =	simm.s32 $0xF880;
	(pc) =	sbr.rel @p0 .LBB2_1-.Ltmp0, $4  }
0xd3: {  	[hbm4b:s6+s2] =	stream.indirect_vreg.scatter [tilespmem:s19], [sflag:$0x1], $0x80, v3, vm0, $0xb8;
	[tilespmem:$0x10080] =	vst v63  }
0xd4: {  	_ =	swait.ge [sflag:s18], $0x10000  }
0xd5: {  	[sflag:s18] =	ssyncset.done $0x0  }
0xd6: {  	s7 =	sadd.s32 $0xFFFFFFFF, s7;
	[sflag:s18] =	ssyncadd.s32 $0xFFFF0000  }
0xd7: {  	_ =	sfence.sel $0x180000  }
0xd8: {  	[bflag:$0x0] =	sbarrier.arrive $0xFFFF  }
0xd9: {  	_ =	strace $0x90000047  }
0xda: {  	s0 =	stileid.u32;
	[bflag:$0x2] =	sbarrier.arrive $0xFFFF  }
0xdb: {  	p0 =	sne.s32 s0, $0x0;
	s0 =	rddreg [dreg:$0x2]  }
0xdc: {  	s0 =	sadd.s32 @!p0 $0x100000, s0  }
0xdd: {  	[sflag:s0] =	ssyncadd.tile.s32 @!p0 $0x1;
	_ =	shalt  }
.Lfunc_end2:
_tile_overlayer_lowered:
.L_overlay_start_2:
0xde: {  	(tag) =	ssettag $0x2  }
0xdf: {  	s0 =	rddreg [dreg:$0x0];
	s2 =	stileid.u32  }
0xe0: {  	s1 =	rddreg [dreg:$0x1];
	p0 =	sne.s32 s2, $0x0  }
0xe1: {  	s3 =	rddreg [dreg:$0x2];
	[bflag:$0x3] =	sbarrier.arrive $0xFFFF;
	s2 =	simm.s32 @!p0 $0x1C02  }
0xe2: {  	[timem:s3], [sflag:s2] =	dma.local @!p0 [hbm:s0], s1  }
0xe3: {  	s0 =	simm.s32 @!p0 $0x2  }
0xe4: {  	_ =	swait.ge @!p0 [sflag:s0], s1  }
0xe5: {  	s1 =	ssub.s32 @!p0 $0x0, s1;
	[sflag:s0] =	ssyncset.done @!p0 $0x0  }
0xe6: {  	[sflag:s0] =	ssyncadd.s32 @!p0 s1  }
0xe7: {  	[bflag:$0x3] =	sbarrier.arrive $0xFFFF  }
0xe8: {  	_ =	shalt  }

</sc_bundles>
